<compile_context>
chip_gen: v7x
topology: tpu7x:2x2x1
jax: 0.10.2.dev20260603
libtpu: 0.0.44.dev20260713+nightly
codegen_flags: <defaults>
</compile_context>

<pallas_src>
import jax
import jax.numpy as jnp
from jax import lax
from jax.experimental import pallas as pl
from jax.experimental.pallas import tpu as pltpu
from jax.experimental.pallas import tpu_sc as plsc

_HORIZON = 4
_COMMIT_W = 0.25
_TC_BATCHES = 12


def _fused_body(st_ref, we_ref, w_state_ref, b_state_ref, w_lang_ref, b_lang_ref,
                w0_ref, b0_ref, w1_ref, b1_ref, w2_ref, b2_ref,
                w_pi_ref, b_pi_ref, w_po_ref, b_po_ref, cb_ref,
                ret_ref, idx_ref, table_ref, loss_ref, ent_ref, opt_ref,
                le_ref, c2_ref):
    b = pl.program_id(0)
    nb = pl.num_programs(0)

    @pl.when(b == 0)
    def _init():
        loss_ref[...] = jnp.zeros((1, 1), jnp.float32)
        ent_ref[...] = jnp.zeros((1, 1), jnp.float32)
        cb = cb_ref[...]
        table_ref[...] = (
            jnp.dot(cb, w_po_ref[...], preferred_element_type=jnp.float32)
            + b_po_ref[...][None, :]
        )
        c2_ref[...] = jnp.sum(cb * cb, axis=1)[None, :]
        le_ref[...] = (
            jnp.dot(we_ref[:, 0, :], w_lang_ref[...],
                    preferred_element_type=jnp.float32)
            + b_lang_ref[...][None, :]
        )

    x_all = st_ref[0]
    rs = jnp.dot(x_all, w_state_ref[...], preferred_element_type=jnp.float32)
    rs = rs + b_state_ref[...][None, :]
    ret_ref[0] = rs

    nt = x_all.shape[0] // _HORIZON
    hs = x_all.reshape(nt, _HORIZON, x_all.shape[1])[:, 0, :]
    se = jnp.dot(hs, w_state_ref[...], preferred_element_type=jnp.float32)
    se = se + b_state_ref[...][None, :]

    le = le_ref[pl.ds(b, 1), :]
    le_rep = jnp.broadcast_to(le, (nt, le.shape[1]))
    inp = jnp.concatenate([le_rep, se], axis=-1)
    h = jnp.dot(inp, w0_ref[...], preferred_element_type=jnp.float32) + b0_ref[...][None, :]
    h = jnp.dot(h, w1_ref[...], preferred_element_type=jnp.float32) + b1_ref[...][None, :]
    op = jnp.dot(h, w2_ref[...], preferred_element_type=jnp.float32) + b2_ref[...][None, :]
    x = jnp.dot(op, w_pi_ref[...], preferred_element_type=jnp.float32) + b_pi_ref[...][None, :]

    xc = lax.dot_general(x, cb_ref[...], (((1,), (1,)), ((), ())),
                         preferred_element_type=jnp.float32)
    x2 = jnp.sum(x * x, axis=1, keepdims=True)
    d = x2 - 2.0 * xc + c2_ref[...]

    dmin = jnp.min(d, axis=1)
    k = d.shape[1]
    iota = lax.broadcasted_iota(jnp.int32, d.shape, 1)
    hit = jnp.where(d == dmin[:, None], iota, k)
    idx = jnp.min(hit, axis=1)
    idx_ref[0, 0, :] = idx

    @pl.when(b < _TC_BATCHES)
    def _opt_inline():
        onehot = jnp.where(iota == idx[:, None], 1.0, 0.0).astype(jnp.float32)
        opt_ref[0] = jnp.dot(onehot, table_ref[...],
                             preferred_element_type=jnp.float32)

    cd = w_pi_ref.shape[1]
    loss_scale = _COMMIT_W / (nb * nt * cd)
    loss_ref[...] += (jnp.sum(dmin) * loss_scale).reshape(1, 1)

    u = dmin[:, None] - d
    e = jnp.exp(u)
    ones_k = jnp.ones((k,), jnp.float32)
    s = jnp.dot(e, ones_k, preferred_element_type=jnp.float32)
    w = jnp.dot(e * u, ones_k, preferred_element_type=jnp.float32)
    ent = jnp.log(s) - w / s
    ent_ref[...] += (jnp.sum(ent) * (1.0 / (nb * nt))).reshape(1, 1)


def _sc_gather(table_hbm, idx_hbm, opt_tc_hbm, out_hbm, idx_v, rows_v, pt_v,
               gsem, wsem):
    wid = lax.axis_index("s") * 2 + lax.axis_index("c")
    b_per_w = idx_v.shape[0]
    base = idx_hbm.shape[0] - (32 - wid) * b_per_w
    pltpu.sync_copy(idx_hbm.at[pl.ds(base, b_per_w)], idx_v)
    nchunk = 4
    csz = b_per_w // nchunk
    copies = [
        pltpu.async_copy(table_hbm.at[idx_v.at[pl.ds(j * csz, csz)]],
                         rows_v.at[pl.ds(j * csz, csz)], gsem)
        for j in range(nchunk)
    ]
    n_pt = pt_v.shape[0]
    pbase = wid * n_pt
    pltpu.sync_copy(opt_tc_hbm.at[pl.ds(pbase, n_pt)], pt_v)
    w_pt = pltpu.async_copy(pt_v, out_hbm.at[pl.ds(pbase, n_pt)], wsem)
    for c in copies:
        c.wait()
    w_g = pltpu.async_copy(rows_v, out_hbm.at[pl.ds(base, b_per_w)], wsem)
    w_pt.wait()
    w_g.wait()


def kernel(word_embeddings, states, W_state, b_state, W_lang, b_lang,
           W0, b0, W1, b1, W2, b2, W_pi, b_pi, W_po, b_po, codebook):
    B, T, S = states.shape
    L = word_embeddings.shape[2]
    H = W_state.shape[1]
    D = W2.shape[1]
    CD = W_pi.shape[1]
    K = codebook.shape[0]
    NT = T // _HORIZON

    full = lambda shape: pl.BlockSpec(shape, lambda b: tuple(0 for _ in shape))
    ret3, idx3, table, loss11, ent11, opt3 = pl.pallas_call(
        _fused_body,
        grid=(B,),
        in_specs=[
            pl.BlockSpec((1, T, S), lambda b: (b, 0, 0)),
            full((B, 1, L)),
            full((S, H)), full((H,)),
            full((L, H)), full((H,)),
            full((2 * H, H)), full((H,)),
            full((H, H)), full((H,)),
            full((H, D)), full((D,)),
            full((D, CD)), full((CD,)),
            full((CD, D)), full((D,)),
            full((K, CD)),
        ],
        out_specs=[
            pl.BlockSpec((1, T, H), lambda b: (b, 0, 0)),
            pl.BlockSpec((1, 1, NT), lambda b: (b, 0, 0)),
            full((K, D)),
            full((1, 1)),
            full((1, 1)),
            pl.BlockSpec((1, NT, D),
                         lambda b: (jnp.minimum(b, _TC_BATCHES - 1), 0, 0)),
        ],
        out_shape=[
            jax.ShapeDtypeStruct((B, T, H), jnp.float32),
            jax.ShapeDtypeStruct((B, 1, NT), jnp.int32),
            jax.ShapeDtypeStruct((K, D), jnp.float32),
            jax.ShapeDtypeStruct((1, 1), jnp.float32),
            jax.ShapeDtypeStruct((1, 1), jnp.float32),
            jax.ShapeDtypeStruct((_TC_BATCHES, NT, D), jnp.float32),
        ],
        scratch_shapes=[
            pltpu.VMEM((B, H), jnp.float32),
            pltpu.VMEM((1, K), jnp.float32),
        ],
    )(states, word_embeddings, W_state, b_state, W_lang, b_lang,
      W0, b0, W1, b1, W2, b2, W_pi, b_pi, W_po, b_po, codebook)

    indices = idx3.reshape(B, NT)

    ntok = B * NT
    n_workers = 32
    b_per_w = (B - _TC_BATCHES) * NT // n_workers
    n_pt = _TC_BATCHES * NT // n_workers
    mesh = plsc.VectorSubcoreMesh(core_axis_name="c", subcore_axis_name="s")
    gather = pl.kernel(
        _sc_gather, mesh=mesh,
        out_type=jax.ShapeDtypeStruct((ntok, D), jnp.float32),
        scratch_types=[
            pltpu.VMEM((b_per_w,), jnp.int32),
            pltpu.VMEM((b_per_w, D), jnp.float32),
            pltpu.VMEM((n_pt, D), jnp.float32),
            pltpu.SemaphoreType.DMA,
            pltpu.SemaphoreType.DMA,
        ],
    )
    options = gather(table, indices.reshape(ntok),
                     opt3.reshape(_TC_BATCHES * NT, D)).reshape(B, NT, D)

    commitment_loss = loss11[0, 0]
    entropies = ent11[0, 0]
    return (options, indices, commitment_loss, entropies, ret3)

# --- scband reference (transcript-rebuilt; emitter-appended) ---
"""Pipeline reference for scband-option-selector-57561151701695 (READ-ONLY COPY).

The authoritative reference and input builder live on the scoring server;
editing this copy changes nothing except your own understanding.
"""

import jax, jax.numpy as jnp
import numpy as np

HORIZON = 4
COMMIT_W = 0.25


def setup_inputs(seed: int = 0) -> dict:
    key = jax.random.key(seed)
    ks = jax.random.split(key, 12)
    B, T, S, L, D, CD, K, H = 16, 2048, 512, 768, 256, 64, 1024, 128
    def lin(k, fi, fo):
        return (jax.random.normal(k, (fi, fo), jnp.float32) / np.sqrt(fi)).astype(jnp.float32)
    inp = {}
    inp["word_embeddings"] = jax.random.normal(ks[0], (B, 1, L), jnp.float32)
    inp["states"] = jax.random.normal(ks[1], (B, T, S), jnp.float32)
    inp["W_state"] = lin(ks[2], S, H); inp["b_state"] = jnp.zeros((H,), jnp.float32)
    inp["W_lang"] = lin(ks[3], L, H); inp["b_lang"] = jnp.zeros((H,), jnp.float32)
    inp["W0"] = lin(ks[4], 2 * H, H); inp["b0"] = jnp.zeros((H,), jnp.float32)
    inp["W1"] = lin(ks[5], H, H); inp["b1"] = jnp.zeros((H,), jnp.float32)
    inp["W2"] = lin(ks[6], H, D); inp["b2"] = jnp.zeros((D,), jnp.float32)
    inp["W_pi"] = lin(ks[7], D, CD); inp["b_pi"] = jnp.zeros((CD,), jnp.float32)
    inp["W_po"] = lin(ks[8], CD, D); inp["b_po"] = jnp.zeros((D,), jnp.float32)
    inp["codebook"] = jax.random.normal(ks[9], (K, CD), jnp.float32)
    return inp


def reference(word_embeddings, states, W_state, b_state, W_lang, b_lang, W0, b0, W1, b1, W2, b2, W_pi, b_pi, W_po, b_po, codebook):
    # embed_state on full states, detached (ret_state_embeddings)
    ret_state = jax.lax.stop_gradient(states @ W_state + b_state)
    # horizon-strided states
    hs = states[:, ::HORIZON, :]
    se = hs @ W_state + b_state
    le = word_embeddings @ W_lang + b_lang
    le_rep = jnp.tile(le, (1, se.shape[1], 1))
    inp = jnp.concatenate([le_rep, se], axis=-1)
    # pred_options: stack of plain Linear layers (no nonlinearity in the original Sequential)
    h = inp @ W0 + b0
    h = h @ W1 + b1
    option_preds = h @ W2 + b2
    # VectorQuantize: project_in -> nearest codeword (euclidean) -> straight-through -> project_out
    x = option_preds @ W_pi + b_pi
    d = (jnp.sum(x ** 2, axis=-1, keepdims=True)
         - 2.0 * (x @ codebook.T)
         + jnp.sum(codebook ** 2, axis=-1)[None, None, :])
    indices = jnp.argmin(d, axis=-1)
    quantize = codebook[indices]
    commitment_loss = COMMIT_W * jnp.mean((jax.lax.stop_gradient(quantize) - x) ** 2)
    quantize_st = x + jax.lax.stop_gradient(quantize - x)
    options = quantize_st @ W_po + b_po
    # entropy of the soft assignment distribution over the codebook
    probs = jax.nn.softmax(-d, axis=-1)
    entropies = jnp.mean(-jnp.sum(probs * jnp.log(probs + 1e-9), axis=-1))
    return (options, indices, commitment_loss, entropies, ret_state)

if __name__ == "__main__":
    import jax
    _d = setup_inputs()
    print(jax.jit(kernel)(*tuple(_d.values())))

</pallas_src>

<mosaic_0001>
#map = affine_map<(d0, d1) -> (0, 0)>
#map1 = affine_map<(d0, d1) -> (0)>
module attributes {stable_mosaic.version = 14 : i64} {
  func.func @_sc_gather(%arg0: i32, %arg1: i32, %arg2: memref<1024x256xf32, #tpu.memory_space<hbm>>, %arg3: memref<8192xi32, #tpu.memory_space<hbm>>, %arg4: memref<6144x256xf32, #tpu.memory_space<hbm>>, %arg5: memref<8192x256xf32, #tpu.memory_space<hbm>>, %arg6: memref<64xi32, #tpu.memory_space<vmem>>, %arg7: memref<64x256xf32, #tpu.memory_space<vmem>>, %arg8: memref<192x256xf32, #tpu.memory_space<vmem>>, %arg9: memref<!tpu.dma_semaphore, #tpu.memory_space<semaphore_mem>>, %arg10: memref<!tpu.dma_semaphore, #tpu.memory_space<semaphore_mem>>) attributes {dimension_semantics = [#tpu.dimension_semantics<core_parallel>, #tpu.dimension_semantics<subcore_parallel>], iteration_bounds = array<i64: 2, 16>, scalar_prefetch = 0 : i64, scratch_operands = 5 : i64, tpu.core_type = #tpu.core_type<sc_vector_subcore>, window_params = [{transform_indices = #map}, {transform_indices = #map1}, {transform_indices = #map}, {transform_indices = #map}]} {
    %mul3A = arith.constant 2 : i32
    %mul3A_0 = arith.muli %arg1, %mul3A : i32
    %add3A = arith.addi %mul3A_0, %arg0 : i32
    %sub3A = arith.constant 32 : i32
    %sub3A_1 = arith.subi %sub3A, %add3A : i32
    %mul3A_2 = arith.constant 64 : i32
    %mul3A_3 = arith.muli %sub3A_1, %mul3A_2 : i32
    %sub3A_4 = arith.constant 8192 : i32
    %sub3A_5 = arith.subi %sub3A_4, %mul3A_3 : i32
    "tpu.region"() ({
      %run_scoped3A = tpu.sem_alloc : memref<!tpu.dma_semaphore, #tpu.memory_space<semaphore_mem>>
      %dma_start3A_86 = tpu.memref_slice %arg3[%sub3A_5] : memref<8192xi32, #tpu.memory_space<hbm>> -> memref<64xi32, #tpu.memory_space<hbm>>
      %dma_start3A_87 = tpu.memref_slice %arg3[%sub3A_5] : memref<8192xi32, #tpu.memory_space<hbm>> -> memref<64xi32, #tpu.memory_space<hbm>>
      tpu.enqueue_dma source(%dma_start3A_87 : memref<64xi32, #tpu.memory_space<hbm>>) target(%arg6 : memref<64xi32, #tpu.memory_space<vmem>>) target_semaphore(%run_scoped3A : memref<!tpu.dma_semaphore, #tpu.memory_space<semaphore_mem>>)
      %dma_wait3A_88 = tpu.memref_slice %arg3[%sub3A_5] : memref<8192xi32, #tpu.memory_space<hbm>> -> memref<64xi32, #tpu.memory_space<hbm>>
      %dma_wait3A_89 = tpu.memref_slice %arg3[%sub3A_5] : memref<8192xi32, #tpu.memory_space<hbm>> -> memref<64xi32, #tpu.memory_space<hbm>>
      tpu.wait_dma2 semaphore(%run_scoped3A : memref<!tpu.dma_semaphore, #tpu.memory_space<semaphore_mem>>) src(%dma_wait3A_89 : memref<64xi32, #tpu.memory_space<hbm>>) dst(%arg6 : memref<64xi32, #tpu.memory_space<vmem>>)
      tpu.yield
    }) : () -> ()
    %dma_start3A = arith.constant 0 : i32
    %dma_start3A_6 = arith.constant 0 : i32
    %dma_start3A_7 = tpu.memref_slice %arg7[%dma_start3A, %dma_start3A_6] : memref<64x256xf32, #tpu.memory_space<vmem>> -> memref<16x256xf32, #tpu.memory_space<vmem>>
    %dma_start3A_8 = arith.constant 0 : i32
    %dma_start3A_9 = tpu.memref_slice %arg6[%dma_start3A_8] : memref<64xi32, #tpu.memory_space<vmem>> -> memref<16xi32, #tpu.memory_space<vmem>>
    %dma_start3A_10 = arith.constant 0 : i32
    %dma_start3A_11 = arith.constant 0 : i32
    %dma_start3A_12 = tpu.memref_slice %arg2[%dma_start3A_10, %dma_start3A_11] : memref<1024x256xf32, #tpu.memory_space<hbm>> -> memref<1024x256xf32, #tpu.memory_space<hbm>>
    tpu.enqueue_indirect_dma source(%dma_start3A_12 : memref<1024x256xf32, #tpu.memory_space<hbm>>) target(%dma_start3A_7 : memref<16x256xf32, #tpu.memory_space<vmem>>) offsets(%dma_start3A_9 : memref<16xi32, #tpu.memory_space<vmem>>) semaphore(%arg9 : memref<!tpu.dma_semaphore, #tpu.memory_space<semaphore_mem>>)
    %dma_start3A_13 = arith.constant 16 : i32
    %dma_start3A_14 = arith.constant 0 : i32
    %dma_start3A_15 = tpu.memref_slice %arg7[%dma_start3A_13, %dma_start3A_14] : memref<64x256xf32, #tpu.memory_space<vmem>> -> memref<16x256xf32, #tpu.memory_space<vmem>>
    %dma_start3A_16 = arith.constant 16 : i32
    %dma_start3A_17 = tpu.memref_slice %arg6[%dma_start3A_16] : memref<64xi32, #tpu.memory_space<vmem>> -> memref<16xi32, #tpu.memory_space<vmem>>
    %dma_start3A_18 = arith.constant 0 : i32
    %dma_start3A_19 = arith.constant 0 : i32
    %dma_start3A_20 = tpu.memref_slice %arg2[%dma_start3A_18, %dma_start3A_19] : memref<1024x256xf32, #tpu.memory_space<hbm>> -> memref<1024x256xf32, #tpu.memory_space<hbm>>
    tpu.enqueue_indirect_dma source(%dma_start3A_20 : memref<1024x256xf32, #tpu.memory_space<hbm>>) target(%dma_start3A_15 : memref<16x256xf32, #tpu.memory_space<vmem>>) offsets(%dma_start3A_17 : memref<16xi32, #tpu.memory_space<vmem>>) semaphore(%arg9 : memref<!tpu.dma_semaphore, #tpu.memory_space<semaphore_mem>>)
    %dma_start3A_21 = arith.constant 32 : i32
    %dma_start3A_22 = arith.constant 0 : i32
    %dma_start3A_23 = tpu.memref_slice %arg7[%dma_start3A_21, %dma_start3A_22] : memref<64x256xf32, #tpu.memory_space<vmem>> -> memref<16x256xf32, #tpu.memory_space<vmem>>
    %dma_start3A_24 = arith.constant 32 : i32
    %dma_start3A_25 = tpu.memref_slice %arg6[%dma_start3A_24] : memref<64xi32, #tpu.memory_space<vmem>> -> memref<16xi32, #tpu.memory_space<vmem>>
    %dma_start3A_26 = arith.constant 0 : i32
    %dma_start3A_27 = arith.constant 0 : i32
    %dma_start3A_28 = tpu.memref_slice %arg2[%dma_start3A_26, %dma_start3A_27] : memref<1024x256xf32, #tpu.memory_space<hbm>> -> memref<1024x256xf32, #tpu.memory_space<hbm>>
    tpu.enqueue_indirect_dma source(%dma_start3A_28 : memref<1024x256xf32, #tpu.memory_space<hbm>>) target(%dma_start3A_23 : memref<16x256xf32, #tpu.memory_space<vmem>>) offsets(%dma_start3A_25 : memref<16xi32, #tpu.memory_space<vmem>>) semaphore(%arg9 : memref<!tpu.dma_semaphore, #tpu.memory_space<semaphore_mem>>)
    %dma_start3A_29 = arith.constant 48 : i32
    %dma_start3A_30 = arith.constant 0 : i32
    %dma_start3A_31 = tpu.memref_slice %arg7[%dma_start3A_29, %dma_start3A_30] : memref<64x256xf32, #tpu.memory_space<vmem>> -> memref<16x256xf32, #tpu.memory_space<vmem>>
    %dma_start3A_32 = arith.constant 48 : i32
    %dma_start3A_33 = tpu.memref_slice %arg6[%dma_start3A_32] : memref<64xi32, #tpu.memory_space<vmem>> -> memref<16xi32, #tpu.memory_space<vmem>>
    %dma_start3A_34 = arith.constant 0 : i32
    %dma_start3A_35 = arith.constant 0 : i32
    %dma_start3A_36 = tpu.memref_slice %arg2[%dma_start3A_34, %dma_start3A_35] : memref<1024x256xf32, #tpu.memory_space<hbm>> -> memref<1024x256xf32, #tpu.memory_space<hbm>>
    tpu.enqueue_indirect_dma source(%dma_start3A_36 : memref<1024x256xf32, #tpu.memory_space<hbm>>) target(%dma_start3A_31 : memref<16x256xf32, #tpu.memory_space<vmem>>) offsets(%dma_start3A_33 : memref<16xi32, #tpu.memory_space<vmem>>) semaphore(%arg9 : memref<!tpu.dma_semaphore, #tpu.memory_space<semaphore_mem>>)
    %mul3A_37 = arith.constant 192 : i32
    %mul3A_38 = arith.muli %add3A, %mul3A_37 : i32
    "tpu.region"() ({
      %run_scoped3A = tpu.sem_alloc : memref<!tpu.dma_semaphore, #tpu.memory_space<semaphore_mem>>
      %dma_start3A_86 = arith.constant 0 : i32
      %dma_start3A_87 = tpu.memref_slice %arg4[%mul3A_38, %dma_start3A_86] : memref<6144x256xf32, #tpu.memory_space<hbm>> -> memref<192x256xf32, #tpu.memory_space<hbm>>
      %dma_start3A_88 = arith.constant 0 : i32
      %dma_start3A_89 = tpu.memref_slice %arg4[%mul3A_38, %dma_start3A_88] : memref<6144x256xf32, #tpu.memory_space<hbm>> -> memref<192x256xf32, #tpu.memory_space<hbm>>
      tpu.enqueue_dma source(%dma_start3A_89 : memref<192x256xf32, #tpu.memory_space<hbm>>) target(%arg8 : memref<192x256xf32, #tpu.memory_space<vmem>>) target_semaphore(%run_scoped3A : memref<!tpu.dma_semaphore, #tpu.memory_space<semaphore_mem>>)
      %dma_wait3A_90 = arith.constant 0 : i32
      %dma_wait3A_91 = tpu.memref_slice %arg4[%mul3A_38, %dma_wait3A_90] : memref<6144x256xf32, #tpu.memory_space<hbm>> -> memref<192x256xf32, #tpu.memory_space<hbm>>
      %dma_wait3A_92 = arith.constant 0 : i32
      %dma_wait3A_93 = tpu.memref_slice %arg4[%mul3A_38, %dma_wait3A_92] : memref<6144x256xf32, #tpu.memory_space<hbm>> -> memref<192x256xf32, #tpu.memory_space<hbm>>
      tpu.wait_dma2 semaphore(%run_scoped3A : memref<!tpu.dma_semaphore, #tpu.memory_space<semaphore_mem>>) src(%dma_wait3A_93 : memref<192x256xf32, #tpu.memory_space<hbm>>) dst(%arg8 : memref<192x256xf32, #tpu.memory_space<vmem>>)
      tpu.yield
    }) : () -> ()
    %dma_start3A_39 = arith.constant 0 : i32
    %dma_start3A_40 = tpu.memref_slice %arg5[%mul3A_38, %dma_start3A_39] : memref<8192x256xf32, #tpu.memory_space<hbm>> -> memref<192x256xf32, #tpu.memory_space<hbm>>
    %dma_start3A_41 = arith.constant 0 : i32
    %dma_start3A_42 = tpu.memref_slice %arg5[%mul3A_38, %dma_start3A_41] : memref<8192x256xf32, #tpu.memory_space<hbm>> -> memref<192x256xf32, #tpu.memory_space<hbm>>
    tpu.enqueue_dma source(%arg8 : memref<192x256xf32, #tpu.memory_space<vmem>>) target(%dma_start3A_42 : memref<192x256xf32, #tpu.memory_space<hbm>>) target_semaphore(%arg10 : memref<!tpu.dma_semaphore, #tpu.memory_space<semaphore_mem>>)
    %dma_wait3A = arith.constant 0 : i32
    %dma_wait3A_43 = arith.constant 0 : i32
    %dma_wait3A_44 = tpu.memref_slice %arg7[%dma_wait3A, %dma_wait3A_43] : memref<64x256xf32, #tpu.memory_space<vmem>> -> memref<16x256xf32, #tpu.memory_space<vmem>>
    %dma_wait3A_45 = arith.constant 0 : i32
    %dma_wait3A_46 = tpu.memref_slice %arg6[%dma_wait3A_45] : memref<64xi32, #tpu.memory_space<vmem>> -> memref<16xi32, #tpu.memory_space<vmem>>
    %dma_wait3A_47 = arith.constant 0 : i32
    %dma_wait3A_48 = arith.constant 0 : i32
    %dma_wait3A_49 = tpu.memref_slice %arg2[%dma_wait3A_47, %dma_wait3A_48] : memref<1024x256xf32, #tpu.memory_space<hbm>> -> memref<1024x256xf32, #tpu.memory_space<hbm>>
    tpu.wait_indirect_dma semaphore(%arg9 : memref<!tpu.dma_semaphore, #tpu.memory_space<semaphore_mem>>) src(%dma_wait3A_49 : memref<1024x256xf32, #tpu.memory_space<hbm>>) dst(%dma_wait3A_44 : memref<16x256xf32, #tpu.memory_space<vmem>>)
    %dma_wait3A_50 = arith.constant 16 : i32
    %dma_wait3A_51 = arith.constant 0 : i32
    %dma_wait3A_52 = tpu.memref_slice %arg7[%dma_wait3A_50, %dma_wait3A_51] : memref<64x256xf32, #tpu.memory_space<vmem>> -> memref<16x256xf32, #tpu.memory_space<vmem>>
    %dma_wait3A_53 = arith.constant 16 : i32
    %dma_wait3A_54 = tpu.memref_slice %arg6[%dma_wait3A_53] : memref<64xi32, #tpu.memory_space<vmem>> -> memref<16xi32, #tpu.memory_space<vmem>>
    %dma_wait3A_55 = arith.constant 0 : i32
    %dma_wait3A_56 = arith.constant 0 : i32
    %dma_wait3A_57 = tpu.memref_slice %arg2[%dma_wait3A_55, %dma_wait3A_56] : memref<1024x256xf32, #tpu.memory_space<hbm>> -> memref<1024x256xf32, #tpu.memory_space<hbm>>
    tpu.wait_indirect_dma semaphore(%arg9 : memref<!tpu.dma_semaphore, #tpu.memory_space<semaphore_mem>>) src(%dma_wait3A_57 : memref<1024x256xf32, #tpu.memory_space<hbm>>) dst(%dma_wait3A_52 : memref<16x256xf32, #tpu.memory_space<vmem>>)
    %dma_wait3A_58 = arith.constant 32 : i32
    %dma_wait3A_59 = arith.constant 0 : i32
    %dma_wait3A_60 = tpu.memref_slice %arg7[%dma_wait3A_58, %dma_wait3A_59] : memref<64x256xf32, #tpu.memory_space<vmem>> -> memref<16x256xf32, #tpu.memory_space<vmem>>
    %dma_wait3A_61 = arith.constant 32 : i32
    %dma_wait3A_62 = tpu.memref_slice %arg6[%dma_wait3A_61] : memref<64xi32, #tpu.memory_space<vmem>> -> memref<16xi32, #tpu.memory_space<vmem>>
    %dma_wait3A_63 = arith.constant 0 : i32
    %dma_wait3A_64 = arith.constant 0 : i32
    %dma_wait3A_65 = tpu.memref_slice %arg2[%dma_wait3A_63, %dma_wait3A_64] : memref<1024x256xf32, #tpu.memory_space<hbm>> -> memref<1024x256xf32, #tpu.memory_space<hbm>>
    tpu.wait_indirect_dma semaphore(%arg9 : memref<!tpu.dma_semaphore, #tpu.memory_space<semaphore_mem>>) src(%dma_wait3A_65 : memref<1024x256xf32, #tpu.memory_space<hbm>>) dst(%dma_wait3A_60 : memref<16x256xf32, #tpu.memory_space<vmem>>)
    %dma_wait3A_66 = arith.constant 48 : i32
    %dma_wait3A_67 = arith.constant 0 : i32
    %dma_wait3A_68 = tpu.memref_slice %arg7[%dma_wait3A_66, %dma_wait3A_67] : memref<64x256xf32, #tpu.memory_space<vmem>> -> memref<16x256xf32, #tpu.memory_space<vmem>>
    %dma_wait3A_69 = arith.constant 48 : i32
    %dma_wait3A_70 = tpu.memref_slice %arg6[%dma_wait3A_69] : memref<64xi32, #tpu.memory_space<vmem>> -> memref<16xi32, #tpu.memory_space<vmem>>
    %dma_wait3A_71 = arith.constant 0 : i32
    %dma_wait3A_72 = arith.constant 0 : i32
    %dma_wait3A_73 = tpu.memref_slice %arg2[%dma_wait3A_71, %dma_wait3A_72] : memref<1024x256xf32, #tpu.memory_space<hbm>> -> memref<1024x256xf32, #tpu.memory_space<hbm>>
    tpu.wait_indirect_dma semaphore(%arg9 : memref<!tpu.dma_semaphore, #tpu.memory_space<semaphore_mem>>) src(%dma_wait3A_73 : memref<1024x256xf32, #tpu.memory_space<hbm>>) dst(%dma_wait3A_68 : memref<16x256xf32, #tpu.memory_space<vmem>>)
    %dma_start3A_74 = arith.constant 0 : i32
    %dma_start3A_75 = tpu.memref_slice %arg5[%sub3A_5, %dma_start3A_74] : memref<8192x256xf32, #tpu.memory_space<hbm>> -> memref<64x256xf32, #tpu.memory_space<hbm>>
    %dma_start3A_76 = arith.constant 0 : i32
    %dma_start3A_77 = tpu.memref_slice %arg5[%sub3A_5, %dma_start3A_76] : memref<8192x256xf32, #tpu.memory_space<hbm>> -> memref<64x256xf32, #tpu.memory_space<hbm>>
    tpu.enqueue_dma source(%arg7 : memref<64x256xf32, #tpu.memory_space<vmem>>) target(%dma_start3A_77 : memref<64x256xf32, #tpu.memory_space<hbm>>) target_semaphore(%arg10 : memref<!tpu.dma_semaphore, #tpu.memory_space<semaphore_mem>>)
    %dma_wait3A_78 = arith.constant 0 : i32
    %dma_wait3A_79 = tpu.memref_slice %arg5[%mul3A_38, %dma_wait3A_78] : memref<8192x256xf32, #tpu.memory_space<hbm>> -> memref<192x256xf32, #tpu.memory_space<hbm>>
    %dma_wait3A_80 = arith.constant 0 : i32
    %dma_wait3A_81 = tpu.memref_slice %arg5[%mul3A_38, %dma_wait3A_80] : memref<8192x256xf32, #tpu.memory_space<hbm>> -> memref<192x256xf32, #tpu.memory_space<hbm>>
    tpu.wait_dma2 semaphore(%arg10 : memref<!tpu.dma_semaphore, #tpu.memory_space<semaphore_mem>>) src(%arg8 : memref<192x256xf32, #tpu.memory_space<vmem>>) dst(%dma_wait3A_81 : memref<192x256xf32, #tpu.memory_space<hbm>>)
    %dma_wait3A_82 = arith.constant 0 : i32
    %dma_wait3A_83 = tpu.memref_slice %arg5[%sub3A_5, %dma_wait3A_82] : memref<8192x256xf32, #tpu.memory_space<hbm>> -> memref<64x256xf32, #tpu.memory_space<hbm>>
    %dma_wait3A_84 = arith.constant 0 : i32
    %dma_wait3A_85 = tpu.memref_slice %arg5[%sub3A_5, %dma_wait3A_84] : memref<8192x256xf32, #tpu.memory_space<hbm>> -> memref<64x256xf32, #tpu.memory_space<hbm>>
    tpu.wait_dma2 semaphore(%arg10 : memref<!tpu.dma_semaphore, #tpu.memory_space<semaphore_mem>>) src(%arg7 : memref<64x256xf32, #tpu.memory_space<vmem>>) dst(%dma_wait3A_85 : memref<64x256xf32, #tpu.memory_space<hbm>>)
    return
  }
}

module attributes {stable_mosaic.version = 14 : i64} {
  func.func @_fused_body(%arg0: i32, %arg1: memref<1x2048x512xf32, #tpu.memory_space<vmem>>, %arg2: memref<16x1x768xf32, #tpu.memory_space<vmem>>, %arg3: memref<512x128xf32, #tpu.memory_space<vmem>>, %arg4: memref<128xf32, #tpu.memory_space<vmem>>, %arg5: memref<768x128xf32, #tpu.memory_space<vmem>>, %arg6: memref<128xf32, #tpu.memory_space<vmem>>, %arg7: memref<256x128xf32, #tpu.memory_space<vmem>>, %arg8: memref<128xf32, #tpu.memory_space<vmem>>, %arg9: memref<128x128xf32, #tpu.memory_space<vmem>>, %arg10: memref<128xf32, #tpu.memory_space<vmem>>, %arg11: memref<128x256xf32, #tpu.memory_space<vmem>>, %arg12: memref<256xf32, #tpu.memory_space<vmem>>, %arg13: memref<256x64xf32, #tpu.memory_space<vmem>>, %arg14: memref<64xf32, #tpu.memory_space<vmem>>, %arg15: memref<64x256xf32, #tpu.memory_space<vmem>>, %arg16: memref<256xf32, #tpu.memory_space<vmem>>, %arg17: memref<1024x64xf32, #tpu.memory_space<vmem>>, %arg18: memref<1x2048x128xf32, #tpu.memory_space<vmem>>, %arg19: memref<1x1x512xi32, #tpu.memory_space<vmem>>, %arg20: memref<1024x256xf32, #tpu.memory_space<vmem>>, %arg21: memref<1x1xf32, #tpu.memory_space<vmem>>, %arg22: memref<1x1xf32, #tpu.memory_space<vmem>>, %arg23: memref<1x512x256xf32, #tpu.memory_space<vmem>>, %arg24: memref<16x128xf32, #tpu.memory_space<vmem>>, %arg25: memref<1x1024xf32, #tpu.memory_space<vmem>>) attributes {dimension_semantics = [#tpu.dimension_semantics<arbitrary>], iteration_bounds = array<i64: 16>, scalar_prefetch = 0 : i64, scratch_operands = 2 : i64, tpu.core_type = #tpu.core_type<tc>, window_params = [{transform_indices = @transform_0, window_bounds = array<i64: 1, 2048, 512>}, {pipeline_mode = #tpu.pipeline_mode<synchronous>, transform_indices = @transform_1, window_bounds = array<i64: 16, 1, 768>}, {pipeline_mode = #tpu.pipeline_mode<synchronous>, transform_indices = @transform_2, window_bounds = array<i64: 512, 128>}, {pipeline_mode = #tpu.pipeline_mode<synchronous>, transform_indices = @transform_3, window_bounds = array<i64: 128>}, {pipeline_mode = #tpu.pipeline_mode<synchronous>, transform_indices = @transform_4, window_bounds = array<i64: 768, 128>}, {pipeline_mode = #tpu.pipeline_mode<synchronous>, transform_indices = @transform_5, window_bounds = array<i64: 128>}, {pipeline_mode = #tpu.pipeline_mode<synchronous>, transform_indices = @transform_6, window_bounds = array<i64: 256, 128>}, {pipeline_mode = #tpu.pipeline_mode<synchronous>, transform_indices = @transform_7, window_bounds = array<i64: 128>}, {pipeline_mode = #tpu.pipeline_mode<synchronous>, transform_indices = @transform_8, window_bounds = array<i64: 128, 128>}, {pipeline_mode = #tpu.pipeline_mode<synchronous>, transform_indices = @transform_9, window_bounds = array<i64: 128>}, {pipeline_mode = #tpu.pipeline_mode<synchronous>, transform_indices = @transform_10, window_bounds = array<i64: 128, 256>}, {pipeline_mode = #tpu.pipeline_mode<synchronous>, transform_indices = @transform_11, window_bounds = array<i64: 256>}, {pipeline_mode = #tpu.pipeline_mode<synchronous>, transform_indices = @transform_12, window_bounds = array<i64: 256, 64>}, {pipeline_mode = #tpu.pipeline_mode<synchronous>, transform_indices = @transform_13, window_bounds = array<i64: 64>}, {pipeline_mode = #tpu.pipeline_mode<synchronous>, transform_indices = @transform_14, window_bounds = array<i64: 64, 256>}, {pipeline_mode = #tpu.pipeline_mode<synchronous>, transform_indices = @transform_15, window_bounds = array<i64: 256>}, {pipeline_mode = #tpu.pipeline_mode<synchronous>, transform_indices = @transform_16, window_bounds = array<i64: 1024, 64>}, {transform_indices = @transform_17, window_bounds = array<i64: 1, 2048, 128>}, {transform_indices = @transform_18, window_bounds = array<i64: 1, 1, 512>}, {pipeline_mode = #tpu.pipeline_mode<synchronous>, transform_indices = @transform_19, window_bounds = array<i64: 1024, 256>}, {pipeline_mode = #tpu.pipeline_mode<synchronous>, transform_indices = @transform_20, window_bounds = array<i64: 1, 1>}, {pipeline_mode = #tpu.pipeline_mode<synchronous>, transform_indices = @transform_21, window_bounds = array<i64: 1, 1>}, {transform_indices = @transform_22, window_bounds = array<i64: 1, 512, 256>}]} {
    %eq3A = arith.constant 0 : i32
    %eq3A_0 = arith.cmpi eq, %arg0, %eq3A : i32
    %convert_element_type3A = arith.extui %eq3A_0 : i1 to i32
    %cond3A = arith.constant 0 : i32
    %cond3A_1 = arith.cmpi ne, %convert_element_type3A, %cond3A : i32
    scf.if %cond3A_1 {
      %broadcast_in_dim3A_147 = arith.constant 0.000000e+00 : f32
      %broadcast_in_dim3A_148 = vector.broadcast %broadcast_in_dim3A_147 : f32 to vector<1x1xf32>
      %swap3A_149 = arith.constant 0 : index
      %swap3A_150 = arith.constant 0 : index
      %swap3A_151 = vector.load %arg21[%swap3A_149, %swap3A_150] : memref<1x1xf32, #tpu.memory_space<vmem>>, vector<1x1xf32>
      tpu.vector_store %arg21[%swap3A_149, %swap3A_150], %broadcast_in_dim3A_148 {strides = array<i32>} : memref<1x1xf32, #tpu.memory_space<vmem>>, vector<1x1xf32>,
      %broadcast_in_dim3A_152 = arith.constant 0.000000e+00 : f32
      %broadcast_in_dim3A_153 = vector.broadcast %broadcast_in_dim3A_152 : f32 to vector<1x1xf32>
      %swap3A_154 = arith.constant 0 : index
      %swap3A_155 = arith.constant 0 : index
      %swap3A_156 = vector.load %arg22[%swap3A_154, %swap3A_155] : memref<1x1xf32, #tpu.memory_space<vmem>>, vector<1x1xf32>
      tpu.vector_store %arg22[%swap3A_154, %swap3A_155], %broadcast_in_dim3A_153 {strides = array<i32>} : memref<1x1xf32, #tpu.memory_space<vmem>>, vector<1x1xf32>,
      %get3A_157 = arith.constant 0 : index
      %get3A_158 = arith.constant 0 : index
      %get3A_159 = vector.load %arg17[%get3A_157, %get3A_158] : memref<1024x64xf32, #tpu.memory_space<vmem>>, vector<1024x64xf32>
      %get3A_160 = arith.constant 0 : index
      %get3A_161 = arith.constant 0 : index
      %get3A_162 = vector.load %arg15[%get3A_160, %get3A_161] : memref<64x256xf32, #tpu.memory_space<vmem>>, vector<64x256xf32>
      %dot_general3A_163 = arith.constant dense<0.000000e+00> : vector<1024x256xf32>
      %dot_general3A_164 = tpu.matmul %get3A_159, %get3A_162, %dot_general3A_163 {dimension_numbers = #tpu.dot_dimension_numbers<[1], [0], [0], [1], [0, 0, 1, 1], [], []>, transpose_lhs_hint = false} : vector<1024x64xf32>, vector<64x256xf32>, vector<1024x256xf32> -> vector<1024x256xf32>
      %get3A_165 = arith.constant 0 : index
      %get3A_166 = vector.load %arg16[%get3A_165] : memref<256xf32, #tpu.memory_space<vmem>>, vector<256xf32>
      %broadcast_in_dim3A_167 = vector.shape_cast %get3A_166 : vector<256xf32> to vector<1x256xf32>
      %add3A_168 = vector.broadcast %broadcast_in_dim3A_167 : vector<1x256xf32> to vector<1024x256xf32>
      %add3A_169 = arith.addf %dot_general3A_164, %add3A_168 : vector<1024x256xf32>
      %swap3A_170 = arith.constant 0 : index
      %swap3A_171 = arith.constant 0 : index
      %swap3A_172 = vector.load %arg20[%swap3A_170, %swap3A_171] : memref<1024x256xf32, #tpu.memory_space<vmem>>, vector<1024x256xf32>
      tpu.vector_store %arg20[%swap3A_170, %swap3A_171], %add3A_169 {strides = array<i32>} : memref<1024x256xf32, #tpu.memory_space<vmem>>, vector<1024x256xf32>,
      %mul3A_173 = arith.mulf %get3A_159, %get3A_159 : vector<1024x64xf32>
      %reduce_sum3A_174 = arith.constant dense<0.000000e+00> : vector<1024xf32>
      %reduce_sum3A_175 = vector.multi_reduction <add>, %mul3A_173, %reduce_sum3A_174 [1] : vector<1024x64xf32> to vector<1024xf32>
      %broadcast_in_dim3A_176 = vector.shape_cast %reduce_sum3A_175 : vector<1024xf32> to vector<1x1024xf32>
      %swap3A_177 = arith.constant 0 : index
      %swap3A_178 = arith.constant 0 : index
      %swap3A_179 = vector.load %arg25[%swap3A_177, %swap3A_178] : memref<1x1024xf32, #tpu.memory_space<vmem>>, vector<1x1024xf32>
      tpu.vector_store %arg25[%swap3A_177, %swap3A_178], %broadcast_in_dim3A_176 {strides = array<i32>} : memref<1x1024xf32, #tpu.memory_space<vmem>>, vector<1x1024xf32>,
      %get3A_180 = arith.constant 0 : index
      %get3A_181 = arith.constant 0 : index
      %get3A_182 = arith.constant 0 : index
      %get3A_183 = vector.load %arg2[%get3A_180, %get3A_181, %get3A_182] : memref<16x1x768xf32, #tpu.memory_space<vmem>>, vector<16x1x768xf32>
      %get3A_184 = vector.shape_cast %get3A_183 : vector<16x1x768xf32> to vector<16x768xf32>
      %get3A_185 = arith.constant 0 : index
      %get3A_186 = arith.constant 0 : index
      %get3A_187 = vector.load %arg5[%get3A_185, %get3A_186] : memref<768x128xf32, #tpu.memory_space<vmem>>, vector<768x128xf32>
      %dot_general3A_188 = arith.constant dense<0.000000e+00> : vector<16x128xf32>
      %dot_general3A_189 = tpu.matmul %get3A_184, %get3A_187, %dot_general3A_188 {dimension_numbers = #tpu.dot_dimension_numbers<[1], [0], [0], [1], [0, 0, 1, 1], [], []>, transpose_lhs_hint = false} : vector<16x768xf32>, vector<768x128xf32>, vector<16x128xf32> -> vector<16x128xf32>
      %get3A_190 = arith.constant 0 : index
      %get3A_191 = vector.load %arg6[%get3A_190] : memref<128xf32, #tpu.memory_space<vmem>>, vector<128xf32>
      %broadcast_in_dim3A_192 = vector.shape_cast %get3A_191 : vector<128xf32> to vector<1x128xf32>
      %add3A_193 = vector.broadcast %broadcast_in_dim3A_192 : vector<1x128xf32> to vector<16x128xf32>
      %add3A_194 = arith.addf %dot_general3A_189, %add3A_193 : vector<16x128xf32>
      %swap3A_195 = arith.constant 0 : index
      %swap3A_196 = arith.constant 0 : index
      %swap3A_197 = vector.load %arg24[%swap3A_195, %swap3A_196] : memref<16x128xf32, #tpu.memory_space<vmem>>, vector<16x128xf32>
      tpu.vector_store %arg24[%swap3A_195, %swap3A_196], %add3A_194 {strides = array<i32>} : memref<16x128xf32, #tpu.memory_space<vmem>>, vector<16x128xf32>,
    } else {
    }
    %get3A = arith.constant 0 : index
    %get3A_2 = arith.constant 0 : index
    %get3A_3 = arith.constant 0 : index
    %get3A_4 = vector.load %arg1[%get3A, %get3A_2, %get3A_3] : memref<1x2048x512xf32, #tpu.memory_space<vmem>>, vector<1x2048x512xf32>
    %get3A_5 = vector.shape_cast %get3A_4 : vector<1x2048x512xf32> to vector<2048x512xf32>
    %get3A_6 = arith.constant 0 : index
    %get3A_7 = arith.constant 0 : index
    %get3A_8 = vector.load %arg3[%get3A_6, %get3A_7] : memref<512x128xf32, #tpu.memory_space<vmem>>, vector<512x128xf32>
    %dot_general3A = arith.constant dense<0.000000e+00> : vector<2048x128xf32>
    %dot_general3A_9 = tpu.matmul %get3A_5, %get3A_8, %dot_general3A {dimension_numbers = #tpu.dot_dimension_numbers<[1], [0], [0], [1], [0, 0, 1, 1], [], []>, transpose_lhs_hint = false} : vector<2048x512xf32>, vector<512x128xf32>, vector<2048x128xf32> -> vector<2048x128xf32>
    %get3A_10 = arith.constant 0 : index
    %get3A_11 = vector.load %arg4[%get3A_10] : memref<128xf32, #tpu.memory_space<vmem>>, vector<128xf32>
    %broadcast_in_dim3A = vector.shape_cast %get3A_11 : vector<128xf32> to vector<1x128xf32>
    %add3A = vector.broadcast %broadcast_in_dim3A : vector<1x128xf32> to vector<2048x128xf32>
    %add3A_12 = arith.addf %dot_general3A_9, %add3A : vector<2048x128xf32>
    %swap3A = arith.constant 0 : index
    %swap3A_13 = arith.constant 0 : index
    %swap3A_14 = arith.constant 0 : index
    %swap3A_15 = vector.load %arg18[%swap3A, %swap3A_13, %swap3A_14] : memref<1x2048x128xf32, #tpu.memory_space<vmem>>, vector<1x2048x128xf32>
    %swap3A_16 = vector.shape_cast %swap3A_15 : vector<1x2048x128xf32> to vector<2048x128xf32>
    %swap3A_17 = vector.shape_cast %add3A_12 : vector<2048x128xf32> to vector<1x2048x128xf32>
    tpu.vector_store %arg18[%swap3A, %swap3A_13, %swap3A_14], %swap3A_17 {strides = array<i32>} : memref<1x2048x128xf32, #tpu.memory_space<vmem>>, vector<1x2048x128xf32>,
    %reshape3A = vector.shape_cast %get3A_5 : vector<2048x512xf32> to vector<512x4x512xf32>
    %slice3A = vector.extract_strided_slice %reshape3A {offsets = [0, 0, 0], sizes = [512, 1, 512], strides = [1, 1, 1]} : vector<512x4x512xf32> to vector<512x1x512xf32>
    %squeeze3A = vector.shape_cast %slice3A : vector<512x1x512xf32> to vector<512x512xf32>
    %get3A_18 = arith.constant 0 : index
    %get3A_19 = arith.constant 0 : index
    %get3A_20 = vector.load %arg3[%get3A_18, %get3A_19] : memref<512x128xf32, #tpu.memory_space<vmem>>, vector<512x128xf32>
    %dot_general3A_21 = arith.constant dense<0.000000e+00> : vector<512x128xf32>
    %dot_general3A_22 = tpu.matmul %squeeze3A, %get3A_20, %dot_general3A_21 {dimension_numbers = #tpu.dot_dimension_numbers<[1], [0], [0], [1], [0, 0, 1, 1], [], []>, transpose_lhs_hint = false} : vector<512x512xf32>, vector<512x128xf32>, vector<512x128xf32> -> vector<512x128xf32>
    %get3A_23 = arith.constant 0 : index
    %get3A_24 = vector.load %arg4[%get3A_23] : memref<128xf32, #tpu.memory_space<vmem>>, vector<128xf32>
    %broadcast_in_dim3A_25 = vector.shape_cast %get3A_24 : vector<128xf32> to vector<1x128xf32>
    %add3A_26 = vector.broadcast %broadcast_in_dim3A_25 : vector<1x128xf32> to vector<512x128xf32>
    %add3A_27 = arith.addf %dot_general3A_22, %add3A_26 : vector<512x128xf32>
    %get3A_28 = arith.index_cast %arg0 : i32 to index
    %get3A_29 = arith.constant 0 : index
    %get3A_30 = vector.load %arg24[%get3A_28, %get3A_29] : memref<16x128xf32, #tpu.memory_space<vmem>>, vector<1x128xf32>
    %broadcast_in_dim3A_31 = vector.shape_cast %get3A_30 : vector<1x128xf32> to vector<1x128xf32>
    %broadcast_in_dim3A_32 = vector.broadcast %broadcast_in_dim3A_31 : vector<1x128xf32> to vector<512x128xf32>
    %concatenate3A = tpu.concatenate %broadcast_in_dim3A_32, %add3A_27 in 1 : vector<512x128xf32>, vector<512x128xf32> -> vector<512x256xf32>
    %get3A_33 = arith.constant 0 : index
    %get3A_34 = arith.constant 0 : index
    %get3A_35 = vector.load %arg7[%get3A_33, %get3A_34] : memref<256x128xf32, #tpu.memory_space<vmem>>, vector<256x128xf32>
    %dot_general3A_36 = arith.constant dense<0.000000e+00> : vector<512x128xf32>
    %dot_general3A_37 = tpu.matmul %concatenate3A, %get3A_35, %dot_general3A_36 {dimension_numbers = #tpu.dot_dimension_numbers<[1], [0], [0], [1], [0, 0, 1, 1], [], []>, transpose_lhs_hint = false} : vector<512x256xf32>, vector<256x128xf32>, vector<512x128xf32> -> vector<512x128xf32>
    %get3A_38 = arith.constant 0 : index
    %get3A_39 = vector.load %arg8[%get3A_38] : memref<128xf32, #tpu.memory_space<vmem>>, vector<128xf32>
    %broadcast_in_dim3A_40 = vector.shape_cast %get3A_39 : vector<128xf32> to vector<1x128xf32>
    %add3A_41 = vector.broadcast %broadcast_in_dim3A_40 : vector<1x128xf32> to vector<512x128xf32>
    %add3A_42 = arith.addf %dot_general3A_37, %add3A_41 : vector<512x128xf32>
    %get3A_43 = arith.constant 0 : index
    %get3A_44 = arith.constant 0 : index
    %get3A_45 = vector.load %arg9[%get3A_43, %get3A_44] : memref<128x128xf32, #tpu.memory_space<vmem>>, vector<128x128xf32>
    %dot_general3A_46 = arith.constant dense<0.000000e+00> : vector<512x128xf32>
    %dot_general3A_47 = tpu.matmul %add3A_42, %get3A_45, %dot_general3A_46 {dimension_numbers = #tpu.dot_dimension_numbers<[1], [0], [0], [1], [0, 0, 1, 1], [], []>, transpose_lhs_hint = false} : vector<512x128xf32>, vector<128x128xf32>, vector<512x128xf32> -> vector<512x128xf32>
    %get3A_48 = arith.constant 0 : index
    %get3A_49 = vector.load %arg10[%get3A_48] : memref<128xf32, #tpu.memory_space<vmem>>, vector<128xf32>
    %broadcast_in_dim3A_50 = vector.shape_cast %get3A_49 : vector<128xf32> to vector<1x128xf32>
    %add3A_51 = vector.broadcast %broadcast_in_dim3A_50 : vector<1x128xf32> to vector<512x128xf32>
    %add3A_52 = arith.addf %dot_general3A_47, %add3A_51 : vector<512x128xf32>
    %get3A_53 = arith.constant 0 : index
    %get3A_54 = arith.constant 0 : index
    %get3A_55 = vector.load %arg11[%get3A_53, %get3A_54] : memref<128x256xf32, #tpu.memory_space<vmem>>, vector<128x256xf32>
    %dot_general3A_56 = arith.constant dense<0.000000e+00> : vector<512x256xf32>
    %dot_general3A_57 = tpu.matmul %add3A_52, %get3A_55, %dot_general3A_56 {dimension_numbers = #tpu.dot_dimension_numbers<[1], [0], [0], [1], [0, 0, 1, 1], [], []>, transpose_lhs_hint = false} : vector<512x128xf32>, vector<128x256xf32>, vector<512x256xf32> -> vector<512x256xf32>
    %get3A_58 = arith.constant 0 : index
    %get3A_59 = vector.load %arg12[%get3A_58] : memref<256xf32, #tpu.memory_space<vmem>>, vector<256xf32>
    %broadcast_in_dim3A_60 = vector.shape_cast %get3A_59 : vector<256xf32> to vector<1x256xf32>
    %add3A_61 = vector.broadcast %broadcast_in_dim3A_60 : vector<1x256xf32> to vector<512x256xf32>
    %add3A_62 = arith.addf %dot_general3A_57, %add3A_61 : vector<512x256xf32>
    %get3A_63 = arith.constant 0 : index
    %get3A_64 = arith.constant 0 : index
    %get3A_65 = vector.load %arg13[%get3A_63, %get3A_64] : memref<256x64xf32, #tpu.memory_space<vmem>>, vector<256x64xf32>
    %dot_general3A_66 = arith.constant dense<0.000000e+00> : vector<512x64xf32>
    %dot_general3A_67 = tpu.matmul %add3A_62, %get3A_65, %dot_general3A_66 {dimension_numbers = #tpu.dot_dimension_numbers<[1], [0], [0], [1], [0, 0, 1, 1], [], []>, transpose_lhs_hint = false} : vector<512x256xf32>, vector<256x64xf32>, vector<512x64xf32> -> vector<512x64xf32>
    %get3A_68 = arith.constant 0 : index
    %get3A_69 = vector.load %arg14[%get3A_68] : memref<64xf32, #tpu.memory_space<vmem>>, vector<64xf32>
    %broadcast_in_dim3A_70 = vector.shape_cast %get3A_69 : vector<64xf32> to vector<1x64xf32>
    %add3A_71 = vector.broadcast %broadcast_in_dim3A_70 : vector<1x64xf32> to vector<512x64xf32>
    %add3A_72 = arith.addf %dot_general3A_67, %add3A_71 : vector<512x64xf32>
    %get3A_73 = arith.constant 0 : index
    %get3A_74 = arith.constant 0 : index
    %get3A_75 = vector.load %arg17[%get3A_73, %get3A_74] : memref<1024x64xf32, #tpu.memory_space<vmem>>, vector<1024x64xf32>
    %dot_general3A_76 = arith.constant dense<0.000000e+00> : vector<512x1024xf32>
    %dot_general3A_77 = tpu.matmul %add3A_72, %get3A_75, %dot_general3A_76 {dimension_numbers = #tpu.dot_dimension_numbers<[1], [1], [0], [0], [0, 0, 1, 0], [], []>, transpose_lhs_hint = false} : vector<512x64xf32>, vector<1024x64xf32>, vector<512x1024xf32> -> vector<512x1024xf32>
    %mul3A = arith.mulf %add3A_72, %add3A_72 : vector<512x64xf32>
    %reduce_sum3A = arith.constant dense<0.000000e+00> : vector<512xf32>
    %reduce_sum3A_78 = vector.multi_reduction <add>, %mul3A, %reduce_sum3A [1] : vector<512x64xf32> to vector<512xf32>
    %broadcast_in_dim3A_79 = vector.shape_cast %reduce_sum3A_78 : vector<512xf32> to vector<512x1xf32>
    %mul3A_80 = arith.constant 2.000000e+00 : f32
    %mul3A_81 = vector.broadcast %mul3A_80 : f32 to vector<512x1024xf32>
    %mul3A_82 = arith.mulf %mul3A_81, %dot_general3A_77 : vector<512x1024xf32>
    %sub3A = vector.broadcast %broadcast_in_dim3A_79 : vector<512x1xf32> to vector<512x1024xf32>
    %sub3A_83 = arith.subf %sub3A, %mul3A_82 : vector<512x1024xf32>
    %get3A_84 = arith.constant 0 : index
    %get3A_85 = arith.constant 0 : index
    %get3A_86 = vector.load %arg25[%get3A_84, %get3A_85] : memref<1x1024xf32, #tpu.memory_space<vmem>>, vector<1x1024xf32>
    %add3A_87 = vector.broadcast %get3A_86 : vector<1x1024xf32> to vector<512x1024xf32>
    %add3A_88 = arith.addf %sub3A_83, %add3A_87 : vector<512x1024xf32>
    %reduce_min3A = arith.constant dense<0x7F800000> : vector<512xf32>
    %reduce_min3A_89 = vector.multi_reduction <minimumf>, %add3A_88, %reduce_min3A [1] : vector<512x1024xf32> to vector<512xf32>
    %iota3A = tpu.iota {dimensions = array<i32: 1>} : vector<512x1024xi32>
    %broadcast_in_dim3A_90 = vector.shape_cast %reduce_min3A_89 : vector<512xf32> to vector<512x1xf32>
    %eq3A_91 = vector.broadcast %broadcast_in_dim3A_90 : vector<512x1xf32> to vector<512x1024xf32>
    %eq3A_92 = arith.cmpf oeq, %add3A_88, %eq3A_91 : vector<512x1024xf32>
    %jit3A = arith.constant 1024 : i32
    %broadcast_in_dim3A_93 = vector.broadcast %jit3A : i32 to vector<512x1024xi32>
    %select_n3A = arith.select %eq3A_92, %iota3A, %broadcast_in_dim3A_93 : vector<512x1024xi1>, vector<512x1024xi32>
    %reduce_min3A_94 = arith.constant dense<2147483647> : vector<512xi32>
    %reduce_min3A_95 = vector.multi_reduction <minsi>, %select_n3A, %reduce_min3A_94 [1] : vector<512x1024xi32> to vector<512xi32>
    %swap3A_96 = arith.constant 0 : index
    %swap3A_97 = arith.constant 0 : index
    %swap3A_98 = arith.constant 0 : index
    %swap3A_99 = vector.load %arg19[%swap3A_96, %swap3A_97, %swap3A_98] : memref<1x1x512xi32, #tpu.memory_space<vmem>>, vector<1x1x512xi32>
    %swap3A_100 = vector.shape_cast %swap3A_99 : vector<1x1x512xi32> to vector<512xi32>
    %swap3A_101 = vector.shape_cast %reduce_min3A_95 : vector<512xi32> to vector<1x1x512xi32>
    tpu.vector_store %arg19[%swap3A_96, %swap3A_97, %swap3A_98], %swap3A_101 {strides = array<i32>} : memref<1x1x512xi32, #tpu.memory_space<vmem>>, vector<1x1x512xi32>,
    %lt3A = arith.constant 12 : i32
    %lt3A_102 = arith.cmpi slt, %arg0, %lt3A : i32
    %convert_element_type3A_103 = arith.extui %lt3A_102 : i1 to i32
    %cond3A_104 = arith.constant 0 : i32
    %cond3A_105 = arith.cmpi ne, %convert_element_type3A_103, %cond3A_104 : i32
    scf.if %cond3A_105 {
      %broadcast_in_dim3A_147 = vector.shape_cast %reduce_min3A_95 : vector<512xi32> to vector<512x1xi32>
      %eq3A_148 = vector.broadcast %broadcast_in_dim3A_147 : vector<512x1xi32> to vector<512x1024xi32>
      %eq3A_149 = arith.cmpi eq, %iota3A, %eq3A_148 : vector<512x1024xi32>
      %jit3A_150 = arith.constant 1.000000e+00 : f32
      %jit3A_151 = arith.constant 0.000000e+00 : f32
      %broadcast_in_dim3A_152 = vector.broadcast %jit3A_150 : f32 to vector<512x1024xf32>
      %broadcast_in_dim3A_153 = vector.broadcast %jit3A_151 : f32 to vector<512x1024xf32>
      %select_n3A_154 = arith.select %eq3A_149, %broadcast_in_dim3A_152, %broadcast_in_dim3A_153 : vector<512x1024xi1>, vector<512x1024xf32>
      %get3A_155 = arith.constant 0 : index
      %get3A_156 = arith.constant 0 : index
      %get3A_157 = vector.load %arg20[%get3A_155, %get3A_156] : memref<1024x256xf32, #tpu.memory_space<vmem>>, vector<1024x256xf32>
      %dot_general3A_158 = arith.constant dense<0.000000e+00> : vector<512x256xf32>
      %dot_general3A_159 = tpu.matmul %select_n3A_154, %get3A_157, %dot_general3A_158 {dimension_numbers = #tpu.dot_dimension_numbers<[1], [0], [0], [1], [0, 0, 1, 1], [], []>, transpose_lhs_hint = false} : vector<512x1024xf32>, vector<1024x256xf32>, vector<512x256xf32> -> vector<512x256xf32>
      %swap3A_160 = arith.constant 0 : index
      %swap3A_161 = arith.constant 0 : index
      %swap3A_162 = arith.constant 0 : index
      %swap3A_163 = vector.load %arg23[%swap3A_160, %swap3A_161, %swap3A_162] : memref<1x512x256xf32, #tpu.memory_space<vmem>>, vector<1x512x256xf32>
      %swap3A_164 = vector.shape_cast %swap3A_163 : vector<1x512x256xf32> to vector<512x256xf32>
      %swap3A_165 = vector.shape_cast %dot_general3A_159 : vector<512x256xf32> to vector<1x512x256xf32>
      tpu.vector_store %arg23[%swap3A_160, %swap3A_161, %swap3A_162], %swap3A_165 {strides = array<i32>} : memref<1x512x256xf32, #tpu.memory_space<vmem>>, vector<1x512x256xf32>,
    } else {
    }
    %get3A_106 = arith.constant 0 : index
    %get3A_107 = arith.constant 0 : index
    %get3A_108 = vector.load %arg21[%get3A_106, %get3A_107] : memref<1x1xf32, #tpu.memory_space<vmem>>, vector<1x1xf32>
    %reduce_sum3A_109 = vector.shape_cast %reduce_min3A_89 : vector<512xf32> to vector<1x512xf32>
    %reduce_sum3A_110 = arith.constant dense<0.000000e+00> : vector<1xf32>
    %reduce_sum3A_111 = vector.multi_reduction <add>, %reduce_sum3A_109, %reduce_sum3A_110 [1] : vector<1x512xf32> to vector<1xf32>
    %reduce_sum3A_112 = vector.shape_cast %reduce_sum3A_111 : vector<1xf32> to vector<1x1xf32>
    %reduce_sum3A_113 = vector.extract %reduce_sum3A_112[0, 0] : f32 from vector<1x1xf32>
    %mul3A_114 = arith.constant 4.76837158E-7 : f32
    %mul3A_115 = arith.mulf %reduce_sum3A_113, %mul3A_114 : f32
    %reshape3A_116 = vector.broadcast %mul3A_115 : f32 to vector<1x1xf32>
    %add3A_117 = arith.addf %get3A_108, %reshape3A_116 : vector<1x1xf32>
    %swap3A_118 = arith.constant 0 : index
    %swap3A_119 = arith.constant 0 : index
    %swap3A_120 = vector.load %arg21[%swap3A_118, %swap3A_119] : memref<1x1xf32, #tpu.memory_space<vmem>>, vector<1x1xf32>
    tpu.vector_store %arg21[%swap3A_118, %swap3A_119], %add3A_117 {strides = array<i32>} : memref<1x1xf32, #tpu.memory_space<vmem>>, vector<1x1xf32>,
    %broadcast_in_dim3A_121 = vector.shape_cast %reduce_min3A_89 : vector<512xf32> to vector<512x1xf32>
    %sub3A_122 = vector.broadcast %broadcast_in_dim3A_121 : vector<512x1xf32> to vector<512x1024xf32>
    %sub3A_123 = arith.subf %sub3A_122, %add3A_88 : vector<512x1024xf32>
    %exp3A = math.exp %sub3A_123 : vector<512x1024xf32>
    %broadcast_in_dim3A_124 = arith.constant 1.000000e+00 : f32
    %broadcast_in_dim3A_125 = vector.broadcast %broadcast_in_dim3A_124 : f32 to vector<1024xf32>
    %dot_general3A_126 = arith.constant dense<0.000000e+00> : vector<512xf32>
    %dot_general3A_127 = tpu.matmul %exp3A, %broadcast_in_dim3A_125, %dot_general3A_126 {dimension_numbers = #tpu.dot_dimension_numbers<[1], [0], [0], [], [0, 0], [], []>, transpose_lhs_hint = false} : vector<512x1024xf32>, vector<1024xf32>, vector<512xf32> -> vector<512xf32>
    %mul3A_128 = arith.mulf %exp3A, %sub3A_123 : vector<512x1024xf32>
    %dot_general3A_129 = arith.constant dense<0.000000e+00> : vector<512xf32>
    %dot_general3A_130 = tpu.matmul %mul3A_128, %broadcast_in_dim3A_125, %dot_general3A_129 {dimension_numbers = #tpu.dot_dimension_numbers<[1], [0], [0], [], [0, 0], [], []>, transpose_lhs_hint = false} : vector<512x1024xf32>, vector<1024xf32>, vector<512xf32> -> vector<512xf32>
    %log3A = math.log %dot_general3A_127 : vector<512xf32>
    %div3A = arith.divf %dot_general3A_130, %dot_general3A_127 : vector<512xf32>
    %sub3A_131 = arith.subf %log3A, %div3A : vector<512xf32>
    %get3A_132 = arith.constant 0 : index
    %get3A_133 = arith.constant 0 : index
    %get3A_134 = vector.load %arg22[%get3A_132, %get3A_133] : memref<1x1xf32, #tpu.memory_space<vmem>>, vector<1x1xf32>
    %reduce_sum3A_135 = vector.shape_cast %sub3A_131 : vector<512xf32> to vector<1x512xf32>
    %reduce_sum3A_136 = arith.constant dense<0.000000e+00> : vector<1xf32>
    %reduce_sum3A_137 = vector.multi_reduction <add>, %reduce_sum3A_135, %reduce_sum3A_136 [1] : vector<1x512xf32> to vector<1xf32>
    %reduce_sum3A_138 = vector.shape_cast %reduce_sum3A_137 : vector<1xf32> to vector<1x1xf32>
    %reduce_sum3A_139 = vector.extract %reduce_sum3A_138[0, 0] : f32 from vector<1x1xf32>
    %mul3A_140 = arith.constant 1.22070313E-4 : f32
    %mul3A_141 = arith.mulf %reduce_sum3A_139, %mul3A_140 : f32
    %reshape3A_142 = vector.broadcast %mul3A_141 : f32 to vector<1x1xf32>
    %add3A_143 = arith.addf %get3A_134, %reshape3A_142 : vector<1x1xf32>
    %swap3A_144 = arith.constant 0 : index
    %swap3A_145 = arith.constant 0 : index
    %swap3A_146 = vector.load %arg22[%swap3A_144, %swap3A_145] : memref<1x1xf32, #tpu.memory_space<vmem>>, vector<1x1xf32>
    tpu.vector_store %arg22[%swap3A_144, %swap3A_145], %add3A_143 {strides = array<i32>} : memref<1x1xf32, #tpu.memory_space<vmem>>, vector<1x1xf32>,
    return
  }
  func.func @transform_0(%arg0: i32) -> (i32, i32, i32) {
    %c0_i32 = arith.constant 0 : i32
    %c0_i32_0 = arith.constant 0 : i32
    %c0_i32_1 = arith.constant 0 : i32
    return %arg0, %c0_i32, %c0_i32_0 : i32, i32, i32
  }
  func.func @transform_1(%arg0: i32) -> (i32, i32, i32) {
    %c0_i32 = arith.constant 0 : i32
    %c0_i32_0 = arith.constant 0 : i32
    %c0_i32_1 = arith.constant 0 : i32
    %c0_i32_2 = arith.constant 0 : i32
    return %c0_i32, %c0_i32_0, %c0_i32_1 : i32, i32, i32
  }
  func.func @transform_2(%arg0: i32) -> (i32, i32) {
    %c0_i32 = arith.constant 0 : i32
    %c0_i32_0 = arith.constant 0 : i32
    %c0_i32_1 = arith.constant 0 : i32
    return %c0_i32, %c0_i32_0 : i32, i32
  }
  func.func @transform_3(%arg0: i32) -> i32 {
    %c0_i32 = arith.constant 0 : i32
    %c0_i32_0 = arith.constant 0 : i32
    return %c0_i32 : i32
  }
  func.func @transform_4(%arg0: i32) -> (i32, i32) {
    %c0_i32 = arith.constant 0 : i32
    %c0_i32_0 = arith.constant 0 : i32
    %c0_i32_1 = arith.constant 0 : i32
    return %c0_i32, %c0_i32_0 : i32, i32
  }
  func.func @transform_5(%arg0: i32) -> i32 {
    %c0_i32 = arith.constant 0 : i32
    %c0_i32_0 = arith.constant 0 : i32
    return %c0_i32 : i32
  }
  func.func @transform_6(%arg0: i32) -> (i32, i32) {
    %c0_i32 = arith.constant 0 : i32
    %c0_i32_0 = arith.constant 0 : i32
    %c0_i32_1 = arith.constant 0 : i32
    return %c0_i32, %c0_i32_0 : i32, i32
  }
  func.func @transform_7(%arg0: i32) -> i32 {
    %c0_i32 = arith.constant 0 : i32
    %c0_i32_0 = arith.constant 0 : i32
    return %c0_i32 : i32
  }
  func.func @transform_8(%arg0: i32) -> (i32, i32) {
    %c0_i32 = arith.constant 0 : i32
    %c0_i32_0 = arith.constant 0 : i32
    %c0_i32_1 = arith.constant 0 : i32
    return %c0_i32, %c0_i32_0 : i32, i32
  }
  func.func @transform_9(%arg0: i32) -> i32 {
    %c0_i32 = arith.constant 0 : i32
    %c0_i32_0 = arith.constant 0 : i32
    return %c0_i32 : i32
  }
  func.func @transform_10(%arg0: i32) -> (i32, i32) {
    %c0_i32 = arith.constant 0 : i32
    %c0_i32_0 = arith.constant 0 : i32
    %c0_i32_1 = arith.constant 0 : i32
    return %c0_i32, %c0_i32_0 : i32, i32
  }
  func.func @transform_11(%arg0: i32) -> i32 {
    %c0_i32 = arith.constant 0 : i32
    %c0_i32_0 = arith.constant 0 : i32
    return %c0_i32 : i32
  }
  func.func @transform_12(%arg0: i32) -> (i32, i32) {
    %c0_i32 = arith.constant 0 : i32
    %c0_i32_0 = arith.constant 0 : i32
    %c0_i32_1 = arith.constant 0 : i32
    return %c0_i32, %c0_i32_0 : i32, i32
  }
  func.func @transform_13(%arg0: i32) -> i32 {
    %c0_i32 = arith.constant 0 : i32
    %c0_i32_0 = arith.constant 0 : i32
    return %c0_i32 : i32
  }
  func.func @transform_14(%arg0: i32) -> (i32, i32) {
    %c0_i32 = arith.constant 0 : i32
    %c0_i32_0 = arith.constant 0 : i32
    %c0_i32_1 = arith.constant 0 : i32
    return %c0_i32, %c0_i32_0 : i32, i32
  }
  func.func @transform_15(%arg0: i32) -> i32 {
    %c0_i32 = arith.constant 0 : i32
    %c0_i32_0 = arith.constant 0 : i32
    return %c0_i32 : i32
  }
  func.func @transform_16(%arg0: i32) -> (i32, i32) {
    %c0_i32 = arith.constant 0 : i32
    %c0_i32_0 = arith.constant 0 : i32
    %c0_i32_1 = arith.constant 0 : i32
    return %c0_i32, %c0_i32_0 : i32, i32
  }
  func.func @transform_17(%arg0: i32) -> (i32, i32, i32) {
    %c0_i32 = arith.constant 0 : i32
    %c0_i32_0 = arith.constant 0 : i32
    %c0_i32_1 = arith.constant 0 : i32
    return %arg0, %c0_i32, %c0_i32_0 : i32, i32, i32
  }
  func.func @transform_18(%arg0: i32) -> (i32, i32, i32) {
    %c0_i32 = arith.constant 0 : i32
    %c0_i32_0 = arith.constant 0 : i32
    %c0_i32_1 = arith.constant 0 : i32
    return %arg0, %c0_i32, %c0_i32_0 : i32, i32, i32
  }
  func.func @transform_19(%arg0: i32) -> (i32, i32) {
    %c0_i32 = arith.constant 0 : i32
    %c0_i32_0 = arith.constant 0 : i32
    %c0_i32_1 = arith.constant 0 : i32
    return %c0_i32, %c0_i32_0 : i32, i32
  }
  func.func @transform_20(%arg0: i32) -> (i32, i32) {
    %c0_i32 = arith.constant 0 : i32
    %c0_i32_0 = arith.constant 0 : i32
    %c0_i32_1 = arith.constant 0 : i32
    return %c0_i32, %c0_i32_0 : i32, i32
  }
  func.func @transform_21(%arg0: i32) -> (i32, i32) {
    %c0_i32 = arith.constant 0 : i32
    %c0_i32_0 = arith.constant 0 : i32
    %c0_i32_1 = arith.constant 0 : i32
    return %c0_i32, %c0_i32_0 : i32, i32
  }
  func.func @transform_22(%arg0: i32) -> (i32, i32, i32) {
    %min3A = arith.constant 11 : i32
    %min3A_0 = arith.minsi %arg0, %min3A : i32
    %c0_i32 = arith.constant 0 : i32
    %c0_i32_1 = arith.constant 0 : i32
    %c0_i32_2 = arith.constant 0 : i32
    return %min3A_0, %c0_i32, %c0_i32_1 : i32, i32, i32
  }
}

</mosaic_0001>

<sc_bundles>
// kernel: kernel.4.cloned.1.call-start
scs
__scs_entry_jumppad:
0x0: {  	(pc) =	sbr.rel $0x88, $3  }
0x1: {  	(tag) =	ssettag $0x0;
	lr =	simm.s32 $0x1  }
0x2: {  	[smem:$0x3F90] =	sst lr;
	_ =	strace $0xD0000000  }
0x3: {  	_ = 	snop  }
0x4: {  	_ = 	snop  }
0x5: {  	_ = 	snop  }
0x6: {  	_ = 	snop  }
0x7: {  	_ = 	snop  }
__scs_overlays_trampoline_lowered:
0x8: {  	[smem:$0x3F9F] =	sst s0  }
0x9: {  	[smem:$0x3FA0] =	sst s1  }
0xa: {  	[smem:$0x3FA1] =	sst s2  }
0xb: {  	[smem:$0x3FA2] =	sst s3  }
0xc: {  	[smem:$0x3FA3] =	sst s4  }
0xd: {  	[smem:$0x3FA4] =	sst s5  }
0xe: {  	[smem:$0x3FA5] =	sst s6  }
0xf: {  	[smem:$0x3FA6] =	sst s7  }
0x10: {  	[smem:$0x3FA7] =	sst s8  }
0x11: {  	[smem:$0x3FA8] =	sst s9;
	s0 =	simm.s32 @!p0 $0x0  }
0x12: {  	s1 =	sld [smem:$0x3F8E];
	s0 =	simm.s32 @p0 $0x1  }
0x13: {  	[smem:$0x3FA9] =	sst s0;
	s0 =	simm.s32 @!p1 $0x0  }
0x14: {  	s2 =	sld [smem:$0x3F8D];
	s0 =	simm.s32 @p1 $0x1  }
0x15: {  	[smem:$0x3FAA] =	sst s0;
	s0 =	simm.s32 @!p2 $0x0  }
0x16: {  	s3 =	sld [smem:$0x3FDB];
	s0 =	simm.s32 @p2 $0x1  }
0x17: {  	s4 =	simm.s32 $0x1BF5;
	[smem:$0x3FAC] =	sst s0  }
0x18: {  	s0 =	sld [smem:$0x3F8F];
	_ =	swait.ge [sflag:s4], $0x0  }
0x19: {  	s7 =	sld [smem:$0x3F90]  }
0x1a: {  	s8 =	sadd.s32 $0xFFFFE003, lr  }
0x1b: {  	s9 =	sadd.s32 $0xFFFFFEF7, lr;
	s5 =	simm.s32 $0xFFFFFFFF;
	p2 =	slt.u32 s8, $0xFFFFF086  }
0x1c: {  	p1 =	slt.u32 s9, $0xF7A;
	s5 =	simm.s32 @!p2 $0x0  }
0x1d: {  	s5 =	simm.s32 @p1 $0x1;
	p0 =	seq.s32 s7, s2  }
0x1e: {  	s7 =	smul.u32 @!p0 $0xF7A, s2;
	p2 =	seq.s32 @!p0 s5, $0x0  }
0x1f: {  	s9 =	smul.u32 $0xF7A, s1;
	s8 =	simm.s32 @!p0 $0x1BF5;
	p2 =	por !p2, p0  }
0x20: {  	[sflag:s8] =	ssyncset.s32 @!p0 $0xFFFFF086;
	s6 =	sadd.s32 @!p0 s3, s7;
	s7 =	simm.s32 @!p0 $0x108  }
0x21: {  	s3 =	sadd.s32 s3, s9;
	s6 =	sadd.s32 @!p0 $0x88, s6;
	s7 =	simm.s32 @p2 $0x1082  }
0x22: {  	[simem:s7], [sflag:s8] =	dma.local @!p0 [hbm:s6], $0xF7A  }
0x23: {  	s9 =	sor.u32 $0xD0000000, s2;
	s6 =	simm.s32 $0x108;
	_ =	swait.ge @!p0 [sflag:s8], $0x0  }
0x24: {  	s3 =	sadd.s32 $0x88, s3;
	s6 =	simm.s32 @!p1 $0x1082;
	[sflag:s4] =	ssyncset.s32 $0xFFFFF086  }
0x25: {  	[simem:s6], [sflag:s4] =	dma.local [hbm:s3], $0xF7A  }
0x26: {  	[smem:$0x3F90] =	sst s1;
	(tag) =	ssettag s2;
	_ =	strace s9  }
0x27: {  	s1 =	sld [smem:$0x3FA0]  }
0x28: {  	s2 =	sld [smem:$0x3FA1]  }
0x29: {  	s4 =	sld [smem:$0x3FA3]  }
0x2a: {  	p0 =	seq.s32 s5, $0x0;
	s5 =	sld [smem:$0x3FA4]  }
0x2b: {  	s6 =	sld [smem:$0x3FA5]  }
0x2c: {  	s7 =	sld [smem:$0x3FA6]  }
0x2d: {  	s3 =	simm.s32 $0x108;
	s8 =	sld [smem:$0x3FA7]  }
0x2e: {  	s3 =	simm.s32 @!p0 $0x1082;
	s9 =	sld [smem:$0x3FA8]  }
0x2f: {  	lr =	sadd.s32 s0, s3;
	s0 =	sld [smem:$0x3F9F]  }
0x30: {  	s3 =	sld [smem:$0x3FA2]  }
0x31: {  	[smem:$0x3FAB] =	sst s10  }
0x32: {  	s10 =	sld [smem:$0x3FA9];
	_ =	sdelay $0x3  }
0x33: {  	p0 =	seq.s32 s10, $0x1;
	s10 =	sld [smem:$0x3FAB];
	_ =	sdelay $0x3  }
0x34: {  	[smem:$0x3FAB] =	sst s10  }
0x35: {  	s10 =	sld [smem:$0x3FAA];
	_ =	sdelay $0x3  }
0x36: {  	p1 =	seq.s32 s10, $0x1;
	s10 =	sld [smem:$0x3FAB];
	_ =	sdelay $0x3  }
0x37: {  	[smem:$0x3FAB] =	sst s10  }
0x38: {  	s10 =	sld [smem:$0x3FAC]  }
0x39: {  	_ = 	snop;
	(pc) =	sbr.ind lr, $3  }
0x3a: {  	_ = 	snop  }
0x3b: {  	_ = 	snop  }
0x3c: {  	p2 =	seq.s32 s10, $0x1;
	s10 =	sld [smem:$0x3FAB]  }
0x3d: {  	_ =	shalt  }
0x3e: {  	_ =	shalt  }
0x3f: {  	_ =	shalt  }
0x40: {  	_ =	shalt  }
0x41: {  	_ =	shalt  }
0x42: {  	_ =	shalt  }
0x43: {  	_ =	shalt  }
0x44: {  	_ =	shalt  }
0x45: {  	_ =	shalt  }
0x46: {  	_ =	shalt  }
0x47: {  	_ =	shalt  }
0x48: {  	_ =	shalt  }
0x49: {  	_ =	shalt  }
0x4a: {  	_ =	shalt  }
0x4b: {  	_ =	shalt  }
0x4c: {  	_ =	shalt  }
0x4d: {  	_ =	shalt  }
0x4e: {  	_ =	shalt  }
0x4f: {  	_ =	shalt  }
0x50: {  	_ =	shalt  }
0x51: {  	_ =	shalt  }
0x52: {  	_ =	shalt  }
0x53: {  	_ =	shalt  }
0x54: {  	_ =	shalt  }
0x55: {  	_ =	shalt  }
0x56: {  	_ =	shalt  }
0x57: {  	_ =	shalt  }
0x58: {  	_ =	shalt  }
0x59: {  	_ =	shalt  }
0x5a: {  	_ =	shalt  }
0x5b: {  	_ =	shalt  }
0x5c: {  	_ =	shalt  }
0x5d: {  	_ =	shalt  }
0x5e: {  	_ =	shalt  }
0x5f: {  	_ =	shalt  }
0x60: {  	_ =	shalt  }
0x61: {  	_ =	shalt  }
0x62: {  	_ =	shalt  }
0x63: {  	_ =	shalt  }
0x64: {  	_ =	shalt  }
0x65: {  	_ =	shalt  }
0x66: {  	_ =	shalt  }
0x67: {  	_ =	shalt  }
0x68: {  	_ =	shalt  }
0x69: {  	_ =	shalt  }
0x6a: {  	_ =	shalt  }
0x6b: {  	_ =	shalt  }
0x6c: {  	_ =	shalt  }
0x6d: {  	_ =	shalt  }
0x6e: {  	_ =	shalt  }
0x6f: {  	_ =	shalt  }
0x70: {  	_ =	shalt  }
0x71: {  	_ =	shalt  }
0x72: {  	_ =	shalt  }
0x73: {  	_ =	shalt  }
0x74: {  	_ =	shalt  }
0x75: {  	_ =	shalt  }
0x76: {  	_ =	shalt  }
0x77: {  	_ =	shalt  }
0x78: {  	_ =	shalt  }
0x79: {  	_ =	shalt  }
0x7a: {  	_ =	shalt  }
0x7b: {  	_ =	shalt  }
0x7c: {  	_ =	shalt  }
0x7d: {  	_ =	shalt  }
0x7e: {  	_ =	shalt  }
0x7f: {  	_ =	shalt  }
0x80: {  	_ =	shalt  }
0x81: {  	_ =	shalt  }
0x82: {  	_ =	shalt  }
0x83: {  	_ =	shalt  }
0x84: {  	_ =	shalt  }
0x85: {  	_ =	shalt  }
0x86: {  	_ =	shalt  }
0x87: {  	_ =	shalt  }
.Lfunc_end0:
.L_simem_size_0:
called_computation_lowered:
.L_overlay_start_0:
0x88: {  	s2 =	sld [smem:$0x3FD9]  }
0x89: {  	s3 =	sld [smem:$0x3FFE];
	_ =	sdelay $0x1  }
0x8a: {  	s1 =	srdreg.scid  }
0x8b: {  	s0 =	sand.u32 $0x1, s1  }
0x8c: {  	s14 =	sshll.u32 s0, $0xA;
	s2 =	sadd.s32 s3, s2  }
0x8d: {  	s2 =	sadd.s32 s2, s14  }
0x8e: {  	[smem:$0x3FB7] =	sst s2  }
0x8f: {  	_ = 	snop  }
0x90: {  	s2 =	sld [smem:$0x3FD0];
	_ =	sdelay $0x2  }
0x91: {  	s15 =	simm.s32 $0xA;
	s4 =	simm.s32 $0x10  }
0x92: {  	[smem:s4], [sflag:s15] =	dma.local [hbm:s2], $0x1  }
0x93: {  	_ =	swait.eq [sflag:s15], $0x1  }
0x94: {  	[sflag:s15] =	ssyncset.done $0x0  }
0x95: {  	[sflag:s15] =	ssyncadd.s32 $0xFFFFFFFF  }
0x96: {  	s16 =	sld [smem:$0x10];
	(tm) =	ssettm $0x1  }
0x97: {  	s17 =	sld [smem:$0x3FFB];
	_ =	sdelay $0x3  }
0x98: {  	_ =	strace s17  }
0x99: {  	s3 =	sld [smem:$0x3FFC];
	_ =	sdelay $0x3  }
0x9a: {  	_ =	strace s3  }
0x9b: {  	s3 =	sld [smem:$0x3FFD];
	_ =	sdelay $0x3  }
0x9c: {  	_ =	strace s3  }
0x9d: {  	_ =	strace $0x8FFFFFFF  }
0x9e: {  	s18 =	sld [smem:$0x3FDB];
	_ =	sdelay $0x1  }
0x9f: {  	s19 =	simm.s32 $_scs_section_size  }
0xa0: {  	s5 =	simm.s32 $_size__tile_overlayer_lowered;
	s6 =	simm.s32 $_tile_overlayer_lowered  }
0xa1: {  	s22 =	simm.s32 $0x1BFF;
	s21 =	sshll.u32 s6, $0x1;
	s3 =	sadd.s32 s19, s18  }
0xa2: {  	s7 =	simm.s32 $0x0;
	s20 =	sshll.u32 s5, $0x1;
	s5 =	sadd.s32 s21, s3  }
0xa3: {  	[timem:s7], [sflag:s22] =	dma.local [hbm:s5], s20  }
0xa4: {  	_ =	swait.ge [sflag:s22], s20  }
0xa5: {  	s4 =	ssub.s32 $0x0, s20;
	[sflag:s22] =	ssyncset.done $0x0  }
0xa6: {  	[sflag:s22] =	ssyncadd.s32 s4;
	_ =	sdelay $0x1  }
0xa7: {  	s23 =	simm.s32 $0x1B8B  }
0xa8: {  	_ =	swait.ge [sflag:s23], $0x1  }
0xa9: {  	[sflag:s23] =	ssyncset.done $0x0  }
0xaa: {  	s25 =	simm.s32 $0x1B8E;
	s24 =	sld [smem:$0x3FFE];
	[sflag:s23] =	ssyncadd.s32 $0xFFFFFFFF  }
0xab: {  	s26 =	simm.s32 $execute0_lowered;
	[smem:$0x3FD2] =	sst s25  }
0xac: {  	s5 =	sshll.u32 s26, $0x1;
	_ =	strace $0x80000046;
	[dreg:$0x1] =	wrdreg $0xFFFFFFFF  }
0xad: {  	s28 =	simm.s32 $_size_execute0_lowered;
	s3 =	sadd.s32 s3, s5;
	[dreg:$0x0] =	wrdreg $0x0  }
0xae: {  	s5 =	sshll.u32 s28, $0x1;
	[dreg:$0x2] =	wrdreg s3  }
0xaf: {  	[dreg:$0x3] =	wrdreg s5  }
0xb0: {  	[dreg:$0x4] =	wrdreg $0xC0  }
0xb1: {  	_ =	task [dreg:s7], $0x5FFFF  }
0xb2: {  	[dreg:$0x1] =	wrdreg $0xFFFFFFFF  }
0xb3: {  	[dreg:$0x0] =	wrdreg $0x60  }
0xb4: {  	[dreg:$0x2] =	wrdreg s24  }
0xb5: {  	[dreg:$0x3] =	wrdreg s16  }
0xb6: {  	[dreg:$0x4] =	wrdreg $0x9  }
0xb7: {  	_ =	task.clear_ibuf [dreg:s7], $0x5FFFF;
	_ =	strace $0x90000046  }
0xb8: {  	s29 =	simm.s32 $0x9;
	_ =	strace $0x80000048  }
0xb9: {  	_ =	swait.ge [sflag:s29], $0x1  }
0xba: {  	[sflag:s29] =	ssyncadd.s32 $0xFFFFFFFF  }
0xbb: {  	_ =	strace $0x90000048  }
0xbc: {  	_ =	sfence  }
0xbd: {  	s30 =	sld [smem:$0x0];
	_ =	sdelay $0x2  }
0xbe: {  	s31 =	sshll.u32 s1, $0xD;
	s1 =	sshrl.u32 s1, $0x2  }
0xbf: {  	s3 =	sand.u32 $0x4000, s31;
	s1 =	sadd.s32 s1, s30  }
0xc0: {  	s0 =	sor.u32 s3, s0;
	s1 =	sshll.u32 s1, $0x11  }
0xc1: {  	s0 =	sor.u32 s1, s0  }
0xc2: {  	s0 =	sadd.s32 $0x8F2B, s0  }
0xc3: {  	[sflag:s0] =	ssyncadd.remote.s32 $0x1  }
0xc4: {  	_ =	sfence.sel $0xFFFF  }
0xc5: {  	[dreg:$0x0] =	wrdreg $0xFFFFFFFF;
	(pc) =	sbr.abs _section_cstart, $3  }
0xc6: {  	[dreg:$0x1] =	wrdreg $0xFFFFFFFF  }
0xc7: {  	_ =	task.clear_ibuf [dreg:s7], $0x2FFFF;
	_ =	strace $0x9FFFFFFF  }
0xc8: {  	(tm) =	ssettm $0x7FFFFFFF  }
0xc9: {  	_ =	shalt  }
tec
execute0_lowered:
.L_overlay_start_1:
0x0: {  	(tag) =	ssettag $0x1  }
0x1: {  	s4 =	rddreg [dreg:$0x0]  }
0x2: {  	s7 =	rddreg [dreg:$0x1]  }
0x3: {  	s0 =	rddreg [dreg:$0x2]  }
0x4: {  	s3 =	srdreg.scid;
	s1 =	stileid.u32;
	s2 =	simm.s32 $0x0  }
0x5: {  	s12 =	simm.s32 $0x1080;
	s13 =	simm.s32 $0x1880;
	s14 =	simm.s32 $0x2080  }
0x6: {  	s15 =	simm.s32 $0x2880;
	s16 =	simm.s32 $0x3080;
	s17 =	simm.s32 $0x3880  }
0x7: {  	s18 =	simm.s32 $0x4080;
	s19 =	simm.s32 $0x1;
	s20 =	simm.s32 $0x2  }
0x8: {  	s3 =	sand.u32 $0x1, s3;
	s5 =	sshll.u32 s1, $0x1;
	[smem:$0x7FF] =	sst s2  }
0x9: {  	s5 =	sor.u32 s3, s5;
	_ =	strace $0x80000047;
	s30 =	ssub.s32 $0x2, s3  }
0xa: {  	s6 =	sshll.u32 s5, $0x6;
	s8 =	smul.u32 $0x1800, s5;
	s10 =	sshrl.u32 s30, $0x1  }
0xb: {  	s3 =	sadd.s32 $0x32A00, s4;
	s6 =	sor.u32 $0x1800, s6;
	s10 =	ssub.s32 s30, s10  }
0xc: {  	s9 =	sshrl.u32 s6, $0x3;
	s11 =	sadd.s32 s8, s4;
	s31 =	sshll.u32 s6, $0x5  }
0xd: {  	v2 =	vlaneseq.u32;
	s6 =	sadd.s32 s7, s8;
	s8 =	smax.u32 s10, $0x1;
	s10 =	simm.s32 $0x80  }
0xe: {  	vm0 =	vmmov $0xffff;
	v1 =	vshrl.u32 v2, $0x3;
	s9 =	sadd.s32 s9, s4;
	s5 =	sadd.s32 $0x2A00, s11;
	s7 =	sadd.s32 s7, s31  }
0xf: {  	v0 =	vand.u32 $0x7, v2;
	v2 =	vor.u32 $0x8, v2;
	v1 =	vmul.u32 $0x8, v1;
	s11 =	simm.s32 $0x880;
	s4 =	sadd.s32 $0x3AA00, s9;
	s9 =	simm.s32 $0x3  }
.LBB2_1:
0x10: {  	[tilespmem:s2], [sflag:$0x3] =	stream.linear.gather [hbm4b:s4+s2], $0x40, $0x38;
	[tilespmem:$0x10080] =	vst v63  }
0x11: {  	_ =	swait.ge [sflag:s9], $0x40  }
0x12: {  	[sflag:s9] =	ssyncset.done $0x0  }
0x13: {  	[sflag:s9] =	ssyncadd.s32 $0xFFFFFFC0  }
0x14: {  	v3 =	vld [tilespmem:$0x0];
	_ =	sdelay $0x4  }
0x15: {  	v4 =	vshll.u32 v3, $0x1  }
0x16: {  	v3 =	vand.u32 $0x7, v3;
	v4 =	vand.u32 $0xFFFFFFF0, v4  }
0x17: {  	v3 =	vor.u32 v3, v4  }
0x18: {  	v4 =	vperm.xlane v3, v0;
	_ =	sdelay $0x1  }
0x19: {  	v3 =	vperm.xlane v3, v2;
	v4 =	vadd.s32 v1, v4;
	_ =	sdelay $0x1  }
0x1a: {  	v3 =	vadd.s32 v1, v3;
	_ =	sdelay $0x2  }
0x1b: {  	[tilespmem:s10], [sflag:$0x1] =	stream.indirect_vreg.gather [hbm4b:s3+s2], $0x80, v4, vm0, $0xb8;
	[tilespmem:$0x10080] =	vst v63  }
0x1c: {  	_ = 	snop  }
0x1d: {  	[tilespmem:s11], [sflag:$0x1] =	stream.indirect_vreg.gather [hbm4b:s3+s2], $0x80, v3, vm0, $0xb8;
	[tilespmem:$0x10080] =	vst v63  }
0x1e: {  	v3 =	vld [tilespmem:$0x10];
	_ =	sdelay $0x4  }
0x1f: {  	v61 =	vshll.u32 v3, $0x1  }
0x20: {  	v3 =	vand.u32 $0x7, v3;
	v4 =	vand.u32 $0xFFFFFFF0, v61  }
0x21: {  	v3 =	vor.u32 v3, v4  }
0x22: {  	v4 =	vperm.xlane v3, v0;
	_ =	sdelay $0x1  }
0x23: {  	v3 =	vperm.xlane v3, v2;
	v4 =	vadd.s32 v1, v4;
	_ =	sdelay $0x1  }
0x24: {  	v3 =	vadd.s32 v1, v3;
	_ =	sdelay $0x2  }
0x25: {  	[tilespmem:s12], [sflag:$0x1] =	stream.indirect_vreg.gather [hbm4b:s3+s2], $0x80, v4, vm0, $0xb8;
	[tilespmem:$0x10080] =	vst v63  }
0x26: {  	_ = 	snop  }
0x27: {  	[tilespmem:s13], [sflag:$0x1] =	stream.indirect_vreg.gather [hbm4b:s3+s2], $0x80, v3, vm0, $0xb8;
	[tilespmem:$0x10080] =	vst v63  }
0x28: {  	v3 =	vld [tilespmem:$0x20];
	_ =	sdelay $0x4  }
0x29: {  	v62 =	vshll.u32 v3, $0x1  }
0x2a: {  	v3 =	vand.u32 $0x7, v3;
	v4 =	vand.u32 $0xFFFFFFF0, v62  }
0x2b: {  	v3 =	vor.u32 v3, v4  }
0x2c: {  	v4 =	vperm.xlane v3, v0;
	_ =	sdelay $0x1  }
0x2d: {  	v3 =	vperm.xlane v3, v2;
	v4 =	vadd.s32 v1, v4;
	_ =	sdelay $0x1  }
0x2e: {  	v3 =	vadd.s32 v1, v3;
	_ =	sdelay $0x2  }
0x2f: {  	[tilespmem:s14], [sflag:$0x1] =	stream.indirect_vreg.gather [hbm4b:s3+s2], $0x80, v4, vm0, $0xb8;
	[tilespmem:$0x10080] =	vst v63  }
0x30: {  	_ = 	snop  }
0x31: {  	[tilespmem:s15], [sflag:$0x1] =	stream.indirect_vreg.gather [hbm4b:s3+s2], $0x80, v3, vm0, $0xb8;
	[tilespmem:$0x10080] =	vst v63  }
0x32: {  	v3 =	vld [tilespmem:$0x30];
	_ =	sdelay $0x4  }
0x33: {  	v63 =	vshll.u32 v3, $0x1  }
0x34: {  	v3 =	vand.u32 $0x7, v3;
	v4 =	vand.u32 $0xFFFFFFF0, v63  }
0x35: {  	v3 =	vor.u32 v3, v4  }
0x36: {  	v4 =	vperm.xlane v3, v0;
	_ =	sdelay $0x1  }
0x37: {  	v3 =	vperm.xlane v3, v2;
	v4 =	vadd.s32 v1, v4;
	_ =	sdelay $0x1  }
0x38: {  	v3 =	vadd.s32 v1, v3;
	_ =	sdelay $0x2  }
0x39: {  	[tilespmem:s16], [sflag:$0x1] =	stream.indirect_vreg.gather [hbm4b:s3+s2], $0x80, v4, vm0, $0xb8;
	[tilespmem:$0x10080] =	vst v63  }
0x3a: {  	_ = 	snop  }
0x3b: {  	[tilespmem:s17], [sflag:$0x1] =	stream.indirect_vreg.gather [hbm4b:s3+s2], $0x80, v3, vm0, $0xb8;
	[tilespmem:$0x10080] =	vst v63  }
0x3c: {  	_ = 	snop  }
0x3d: {  	[tilespmem:s18], [sflag:$0x3] =	stream.linear.gather [hbm4b:s5+s2], $0xC000, $0x38;
	[tilespmem:$0x10080] =	vst v63  }
0x3e: {  	_ =	swait.ge [sflag:s9], $0xC000  }
0x3f: {  	[sflag:s9] =	ssyncset.done $0x0  }
0x40: {  	[sflag:s9] =	ssyncadd.s32 $0xFFFF4000  }
0x41: {  	[hbm4b:s6+s2] =	stream.linear.scatter [tilespmem:s18], [sflag:$0x2], $0xC000, $0x38;
	[tilespmem:$0x10080] =	vst v63  }
0x42: {  	_ =	swait.ge [sflag:s19], $0x1000  }
0x43: {  	[sflag:s19] =	ssyncset.done $0x0  }
0x44: {  	[sflag:s19] =	ssyncadd.s32 $0xFFFFF000  }
0x45: {  	_ =	swait.ge [sflag:s19], $0x1000  }
0x46: {  	[sflag:s19] =	ssyncset.done $0x0  }
0x47: {  	[sflag:s19] =	ssyncadd.s32 $0xFFFFF000  }
0x48: {  	_ =	swait.ge [sflag:s19], $0x1000  }
0x49: {  	[sflag:s19] =	ssyncset.done $0x0  }
0x4a: {  	[sflag:s19] =	ssyncadd.s32 $0xFFFFF000  }
0x4b: {  	_ =	swait.ge [sflag:s19], $0x1000  }
0x4c: {  	[sflag:s19] =	ssyncset.done $0x0  }
0x4d: {  	[sflag:s19] =	ssyncadd.s32 $0xFFFFF000  }
0x4e: {  	[hbm4b:s7+s2] =	stream.linear.scatter [tilespmem:s10], [sflag:$0x2], $0x4000, $0x38;
	[tilespmem:$0x10080] =	vst v63  }
0x4f: {  	p0 =	sne.s32 s8, $0x1;
	_ =	swait.ge [sflag:s20], $0xC000  }
.Ltmp0:
0x50: {  	[sflag:s20] =	ssyncset.done $0x0;
	(pc) =	sbr.rel @p0 .LBB2_1-.Ltmp0, $4  }
0x51: {  	[sflag:s20] =	ssyncadd.s32 $0xFFFF4000  }
0x52: {  	_ =	swait.ge [sflag:s20], $0x4000  }
0x53: {  	[sflag:s20] =	ssyncset.done $0x0  }
0x54: {  	s8 =	sadd.s32 $0xFFFFFFFF, s8;
	[sflag:s20] =	ssyncadd.s32 $0xFFFFC000  }
0x55: {  	_ =	sfence.sel $0x180000  }
0x56: {  	[bflag:$0x0] =	sbarrier.arrive $0xFFFF  }
0x57: {  	p0 =	sne.s32 s1, $0x0;
	_ =	strace $0x90000047  }
0x58: {  	s0 =	sadd.s32 @!p0 $0x100000, s0;
	[bflag:$0x2] =	sbarrier.arrive $0xFFFF  }
0x59: {  	[sflag:s0] =	ssyncadd.tile.s32 @!p0 $0x1;
	_ =	shalt  }
.Lfunc_end2:
_tile_overlayer_lowered:
.L_overlay_start_2:
0x5a: {  	(tag) =	ssettag $0x2  }
0x5b: {  	s0 =	rddreg [dreg:$0x0];
	s2 =	stileid.u32  }
0x5c: {  	s1 =	rddreg [dreg:$0x1];
	p0 =	sne.s32 s2, $0x0  }
0x5d: {  	s3 =	rddreg [dreg:$0x2];
	[bflag:$0x3] =	sbarrier.arrive $0xFFFF;
	s2 =	simm.s32 @!p0 $0x1C03  }
0x5e: {  	[timem:s3], [sflag:s2] =	dma.local @!p0 [hbm:s0], s1  }
0x5f: {  	s0 =	simm.s32 @!p0 $0x3  }
0x60: {  	_ =	swait.ge @!p0 [sflag:s0], s1  }
0x61: {  	s1 =	ssub.s32 @!p0 $0x0, s1;
	[sflag:s0] =	ssyncset.done @!p0 $0x0  }
0x62: {  	[sflag:s0] =	ssyncadd.s32 @!p0 s1  }
0x63: {  	[bflag:$0x3] =	sbarrier.arrive $0xFFFF  }
0x64: {  	_ =	shalt  }

</sc_bundles>
